<compile_context>
chip_gen: v7x
topology: tpu7x:2x2x1
jax: 0.10.2.dev20260603
libtpu: 0.0.44.dev20260713+nightly
codegen_flags: <defaults>
</compile_context>

<pallas_src>
import jax
import jax.numpy as jnp
from jax import lax
from jax.experimental import pallas as pl
from jax.experimental.pallas import tpu as pltpu
from jax.experimental.pallas import tpu_sc as plsc

_B, _L = 16384, 20
_DLOC, _DTIME = 64, 32
_DOUT = _DLOC + _DTIME
_NC, _NS = 2, 16
_NW = _NC * _NS
_C = 128
_B_PER_W = _B // _NW
_NBC = _B_PER_W // _C
_BP = _C + 1


def _body(xV, tV, loc0, loc1, loc2, tw0, tw1, out_hbm,
          idx_vx, idx_vt, b0, b1, b2, tb0, tb1, outT0, outT1,
          sg0, sg1, ss0, ss1):
    wid = lax.axis_index("s") * _NC + lax.axis_index("c")
    sg = (sg0, sg1)
    ss = (ss0, ss1)
    outTs = (outT0, outT1)

    def gather_descs(slot, lc):
        s = sg[slot]
        lq, lr = lc // 8, lc % 8
        return (
            pltpu.make_async_copy(loc0.at[idx_vx.at[0, lq, lr]], b0.at[slot], s),
            pltpu.make_async_copy(loc1.at[idx_vx.at[1, lq, lr]], b1.at[slot], s),
            pltpu.make_async_copy(loc2.at[idx_vx.at[2, lq, lr]], b2.at[slot], s),
            pltpu.make_async_copy(tw0.at[idx_vt.at[lc, 0]], tb0.at[slot], s),
            pltpu.make_async_copy(tw1.at[idx_vt.at[lc, 1]], tb1.at[slot], s),
        )

    def fire(slot, lc):
        for d in gather_descs(slot, lc):
            d.start()

    def wait_gathers(slot, lc):
        for d in gather_descs(slot, lc):
            d.wait()

    def scatter_desc(slot, lc, bblk):
        return pltpu.make_async_copy(
            outTs[slot].at[:, :, pl.ds(0, _C)],
            out_hbm.at[lc, :, bblk], ss[slot])

    lane = lax.iota(jnp.int32, 16)
    hi8 = lane // 8
    lo8 = lane % 8

    def compute(slot):
        oT = outTs[slot]

        def row(i, _):
            bi = jnp.full((16,), 0, jnp.int32) + i
            for j in range(_DLOC // 16):
                s = pl.ds(j * 16, 16)
                v = b0[slot, i, s] + b1[slot, i, s] + b2[slot, i, s]
                plsc.store_scatter(oT, [hi8 + 2 * j, lo8, bi], v)
            for j in range(_DTIME // 16):
                s = pl.ds(j * 16, 16)
                v = tb0[slot, i, s] + tb1[slot, i, s]
                plsc.store_scatter(oT, [hi8 + (8 + 2 * j), lo8, bi], v)
            return ()
        lax.fori_loop(0, _C, row, ())

    @pl.loop(0, _NBC)
    def bchunk(bc):
        b0c = wid * _B_PER_W + bc * _C
        bblk = b0c // _C
        pltpu.sync_copy(xV.at[:, :, bblk], idx_vx)
        pltpu.sync_copy(tV.at[:, bblk], idx_vt)
        fire(0, 0)

        @pl.loop(0, _L, step=2)
        def pair(k):
            for b in range(2):
                lc = k + b
                nxt = lc + 1

                @pl.when(nxt < _L)
                def _():
                    fire(1 - b, nxt)

                wait_gathers(b, lc)
                compute(b)

                @pl.when(bc * _L + lc >= 2)
                def _():
                    scatter_desc(b, lc, bblk).wait()

                scatter_desc(b, lc, bblk).start()

    scatter_desc(0, 0, 0).wait()
    scatter_desc(1, 0, 0).wait()


def kernel(x, t, loc_w0, loc_w1, loc_w2, time_w0, time_w1):
    xp = jnp.pad(x.astype(jnp.int32), ((0, 0), (0, 4), (0, 0)))
    xV = jnp.transpose(
        jnp.transpose(xp, (2, 1, 0)).reshape(3, 3, 8, _B // _C, _C),
        (0, 1, 3, 2, 4))
    tV = jnp.transpose(
        jnp.transpose(t.astype(jnp.int32), (1, 0, 2)).reshape(
            _L, _B // _C, _C, 2),
        (0, 1, 3, 2))
    mesh = plsc.VectorSubcoreMesh(core_axis_name="c", subcore_axis_name="s",
                                  num_cores=_NC, num_subcores=_NS)
    out5 = pl.kernel(
        _body,
        out_type=jax.ShapeDtypeStruct((_L, _DOUT // 8, _B // _C, 8, _C),
                                      jnp.float32),
        mesh=mesh,
        scratch_types=[
            pltpu.VMEM((3, 3, 8, _C), jnp.int32),
            pltpu.VMEM((_L, 2, _C), jnp.int32),
            pltpu.VMEM((2, _C, _DLOC), jnp.float32),
            pltpu.VMEM((2, _C, _DLOC), jnp.float32),
            pltpu.VMEM((2, _C, _DLOC), jnp.float32),
            pltpu.VMEM((2, _C, _DTIME), jnp.float32),
            pltpu.VMEM((2, _C, _DTIME), jnp.float32),
            pltpu.VMEM((_DOUT // 8, 8, _BP), jnp.float32),
            pltpu.VMEM((_DOUT // 8, 8, _BP), jnp.float32),
            pltpu.SemaphoreType.DMA,
            pltpu.SemaphoreType.DMA,
            pltpu.SemaphoreType.DMA,
            pltpu.SemaphoreType.DMA,
        ],
        compiler_params=pltpu.CompilerParams(use_tc_tiling_on_sc=False,
                                             needs_layout_passes=False),
    )(xV, tV, loc_w0, loc_w1, loc_w2, time_w0, time_w1)
    return jnp.transpose(out5, (2, 4, 0, 1, 3)).reshape(_B, _L, _DOUT)

# --- scband reference (transcript-rebuilt; emitter-appended) ---
"""Pipeline reference for scband-lookup-sum-embedding-37666863186209 (READ-ONLY COPY).

The authoritative reference and input builder live on the scoring server;
editing this copy changes nothing except your own understanding.
"""

import jax, jax.numpy as jnp
import numpy as np

VOCAB_LOC = 100000
VOCAB_TIME = 1024
DIM_LOC = 64
DIM_TIME = 32
B, L = 16384, 20
N_LOC_LEVELS = 3
N_TIME_LEVELS = 2


def setup_inputs(seed: int = 0) -> dict:
    key = jax.random.key(seed)
    ks = jax.random.split(key, 7)
    x = jax.random.randint(ks[0], (B, L, N_LOC_LEVELS), 0, VOCAB_LOC)
    t = jax.random.randint(ks[1], (B, L, N_TIME_LEVELS), 0, VOCAB_TIME)
    scale = 1.0 / np.sqrt(N_LOC_LEVELS)
    loc_w0 = jax.random.normal(ks[2], (VOCAB_LOC, DIM_LOC), dtype=jnp.float32) * scale
    loc_w1 = jax.random.normal(ks[3], (VOCAB_LOC, DIM_LOC), dtype=jnp.float32) * scale
    loc_w2 = jax.random.normal(ks[4], (VOCAB_LOC, DIM_LOC), dtype=jnp.float32) * scale
    time_w0 = jax.random.normal(ks[5], (VOCAB_TIME, DIM_TIME), dtype=jnp.float32)
    time_w1 = jax.random.normal(ks[6], (VOCAB_TIME, DIM_TIME), dtype=jnp.float32)
    return {"x": x, "t": t, "loc_w0": loc_w0, "loc_w1": loc_w1, "loc_w2": loc_w2,
            "time_w0": time_w0, "time_w1": time_w1}


def reference(x, t, loc_w0, loc_w1, loc_w2, time_w0, time_w1):
    # sum of per-level location embeddings (stack + sum in torch == elementwise add)
    x_embedded = (jnp.take(loc_w0, x[..., 0], axis=0)
                  + jnp.take(loc_w1, x[..., 1], axis=0)
                  + jnp.take(loc_w2, x[..., 2], axis=0))
    t_embedded = (jnp.take(time_w0, t[..., 0], axis=0)
                  + jnp.take(time_w1, t[..., 1], axis=0))
    return jnp.concatenate([x_embedded, t_embedded], axis=-1)

if __name__ == "__main__":
    import jax
    _d = setup_inputs()
    print(jax.jit(kernel)(*tuple(_d.values())))

</pallas_src>

<mosaic_0001>
#map = affine_map<(d0, d1) -> (0, 0, 0, 0, 0)>
#map1 = affine_map<(d0, d1) -> (0, 0, 0, 0)>
#map2 = affine_map<(d0, d1) -> (0, 0)>
module attributes {stable_mosaic.version = 14 : i64} {
  func.func @_body(%arg0: i32, %arg1: i32, %arg2: memref<3x3x128x8x128xi32, #tpu.memory_space<hbm>>, %arg3: memref<20x128x2x128xi32, #tpu.memory_space<hbm>>, %arg4: memref<100000x64xf32, #tpu.memory_space<hbm>>, %arg5: memref<100000x64xf32, #tpu.memory_space<hbm>>, %arg6: memref<100000x64xf32, #tpu.memory_space<hbm>>, %arg7: memref<1024x32xf32, #tpu.memory_space<hbm>>, %arg8: memref<1024x32xf32, #tpu.memory_space<hbm>>, %arg9: memref<20x12x128x8x128xf32, #tpu.memory_space<hbm>>, %arg10: memref<3x3x8x128xi32, #tpu.memory_space<vmem>>, %arg11: memref<20x2x128xi32, #tpu.memory_space<vmem>>, %arg12: memref<2x128x64xf32, #tpu.memory_space<vmem>>, %arg13: memref<2x128x64xf32, #tpu.memory_space<vmem>>, %arg14: memref<2x128x64xf32, #tpu.memory_space<vmem>>, %arg15: memref<2x128x32xf32, #tpu.memory_space<vmem>>, %arg16: memref<2x128x32xf32, #tpu.memory_space<vmem>>, %arg17: memref<12x8x129xf32, #tpu.memory_space<vmem>>, %arg18: memref<12x8x129xf32, #tpu.memory_space<vmem>>, %arg19: memref<!tpu.dma_semaphore, #tpu.memory_space<semaphore_mem>>, %arg20: memref<!tpu.dma_semaphore, #tpu.memory_space<semaphore_mem>>, %arg21: memref<!tpu.dma_semaphore, #tpu.memory_space<semaphore_mem>>, %arg22: memref<!tpu.dma_semaphore, #tpu.memory_space<semaphore_mem>>) attributes {dimension_semantics = [#tpu.dimension_semantics<core_parallel>, #tpu.dimension_semantics<subcore_parallel>], iteration_bounds = array<i64: 2, 16>, scalar_prefetch = 0 : i64, scratch_operands = 13 : i64, tpu.core_type = #tpu.core_type<sc_vector_subcore>, window_params = [{transform_indices = #map}, {transform_indices = #map1}, {transform_indices = #map2}, {transform_indices = #map2}, {transform_indices = #map2}, {transform_indices = #map2}, {transform_indices = #map2}, {transform_indices = #map}]} {
    %mul3A = arith.constant 2 : i32
    %mul3A_0 = arith.muli %arg1, %mul3A : i32
    %add3A = arith.addi %mul3A_0, %arg0 : i32
    %iota3A = tpu.iota {dimensions = array<i32: 0>} : vector<16xi32>
    %jit3A = arith.constant 8 : i32
    %div3A = vector.broadcast %jit3A : i32 to vector<16xi32>
    %div3A_1 = arith.divsi %iota3A, %div3A : vector<16xi32>
    %sign3A = arith.constant 0 : i32
    %sign3A_2 = vector.broadcast %sign3A : i32 to vector<16xi32>
    %sign3A_3 = arith.cmpi sgt, %iota3A, %sign3A_2 : vector<16xi32>
    %sign3A_4 = arith.extui %sign3A_3 : vector<16xi1> to vector<16xi32>
    %sign3A_5 = arith.constant 0 : i32
    %sign3A_6 = vector.broadcast %sign3A_5 : i32 to vector<16xi32>
    %sign3A_7 = arith.cmpi slt, %iota3A, %sign3A_6 : vector<16xi32>
    %sign3A_8 = arith.extui %sign3A_7 : vector<16xi1> to vector<16xi32>
    %sign3A_9 = arith.subi %sign3A_4, %sign3A_8 : vector<16xi32>
    %sign3A_10 = arith.constant 0 : i32
    %sign3A_11 = arith.cmpi sgt, %jit3A, %sign3A_10 : i32
    %sign3A_12 = arith.extui %sign3A_11 : i1 to i32
    %sign3A_13 = arith.constant 0 : i32
    %sign3A_14 = arith.cmpi slt, %jit3A, %sign3A_13 : i32
    %sign3A_15 = arith.extui %sign3A_14 : i1 to i32
    %sign3A_16 = arith.subi %sign3A_12, %sign3A_15 : i32
    %ne3A = vector.broadcast %sign3A_16 : i32 to vector<16xi32>
    %ne3A_17 = arith.cmpi ne, %sign3A_9, %ne3A : vector<16xi32>
    %rem3A = vector.broadcast %jit3A : i32 to vector<16xi32>
    %rem3A_18 = arith.remsi %iota3A, %rem3A : vector<16xi32>
    %ne3A_19 = arith.constant 0 : i32
    %ne3A_20 = vector.broadcast %ne3A_19 : i32 to vector<16xi32>
    %ne3A_21 = arith.cmpi ne, %rem3A_18, %ne3A_20 : vector<16xi32>
    %and3A = arith.andi %ne3A_17, %ne3A_21 : vector<16xi1>
    %sub3A = arith.constant 1 : i32
    %sub3A_22 = vector.broadcast %sub3A : i32 to vector<16xi32>
    %sub3A_23 = arith.subi %div3A_1, %sub3A_22 : vector<16xi32>
    %select_n3A = arith.select %and3A, %sub3A_23, %div3A_1 : vector<16xi1>, vector<16xi32>
    %jit3A_24 = arith.constant 8 : i32
    %eq3A = arith.constant 0 : i32
    %eq3A_25 = arith.cmpi eq, %jit3A_24, %eq3A : i32
    %jit3A_26 = arith.constant 1 : i32
    %select_n3A_27 = arith.select %eq3A_25, %jit3A_26, %jit3A_24 : i32
    %rem3A_28 = vector.broadcast %select_n3A_27 : i32 to vector<16xi32>
    %rem3A_29 = arith.remsi %iota3A, %rem3A_28 : vector<16xi32>
    %ne3A_30 = arith.constant 0 : i32
    %ne3A_31 = vector.broadcast %ne3A_30 : i32 to vector<16xi32>
    %ne3A_32 = arith.cmpi ne, %rem3A_29, %ne3A_31 : vector<16xi32>
    %lt3A = arith.constant 0 : i32
    %lt3A_33 = vector.broadcast %lt3A : i32 to vector<16xi32>
    %lt3A_34 = arith.cmpi slt, %rem3A_29, %lt3A_33 : vector<16xi32>
    %lt3A_35 = arith.constant 0 : i32
    %lt3A_36 = arith.cmpi slt, %select_n3A_27, %lt3A_35 : i32
    %ne3A_37 = vector.broadcast %lt3A_36 : i1 to vector<16xi1>
    %ne3A_38 = vector.broadcast %ne3A_37 : vector<16xi1> to vector<16xi1>
    %ne3A_39 = arith.xori %lt3A_34, %ne3A_38 : vector<16xi1>
    %and3A_40 = arith.andi %ne3A_39, %ne3A_32 : vector<16xi1>
    %add3A_41 = vector.broadcast %select_n3A_27 : i32 to vector<16xi32>
    %add3A_42 = arith.addi %rem3A_29, %add3A_41 : vector<16xi32>
    %select_n3A_43 = arith.select %and3A_40, %add3A_42, %rem3A_29 : vector<16xi1>, vector<16xi32>
    %scan3A = arith.constant 0 : i32
    %scan3A_44 = arith.constant 4 : i32
    %scan3A_45 = arith.addi %scan3A, %scan3A_44 : i32
    %scan3A_46 = arith.constant 1 : i32
    scf.for %scan3A_87 = %scan3A to %scan3A_45 step %scan3A_46  : i32 {
      %mul3A_88 = arith.constant 1 : i32
      %mul3A_89 = arith.muli %scan3A_87, %mul3A_88 : i32
      %add3A_90 = arith.constant 0 : i32
      %add3A_91 = arith.addi %add3A_90, %mul3A_89 : i32
      %mul3A_92 = arith.constant 512 : i32
      %mul3A_93 = arith.muli %add3A, %mul3A_92 : i32
      %mul3A_94 = arith.constant 128 : i32
      %mul3A_95 = arith.muli %add3A_91, %mul3A_94 : i32
      %add3A_96 = arith.addi %mul3A_93, %mul3A_95 : i32
      %jit3A_97 = arith.constant 128 : i32
      %div3A_98 = arith.divsi %add3A_96, %jit3A_97 : i32
      %sign3A_99 = arith.constant 0 : i32
      %sign3A_100 = arith.cmpi sgt, %add3A_96, %sign3A_99 : i32
      %sign3A_101 = arith.extui %sign3A_100 : i1 to i32
      %sign3A_102 = arith.constant 0 : i32
      %sign3A_103 = arith.cmpi slt, %add3A_96, %sign3A_102 : i32
      %sign3A_104 = arith.extui %sign3A_103 : i1 to i32
      %sign3A_105 = arith.subi %sign3A_101, %sign3A_104 : i32
      %sign3A_106 = arith.constant 0 : i32
      %sign3A_107 = arith.cmpi sgt, %jit3A_97, %sign3A_106 : i32
      %sign3A_108 = arith.extui %sign3A_107 : i1 to i32
      %sign3A_109 = arith.constant 0 : i32
      %sign3A_110 = arith.cmpi slt, %jit3A_97, %sign3A_109 : i32
      %sign3A_111 = arith.extui %sign3A_110 : i1 to i32
      %sign3A_112 = arith.subi %sign3A_108, %sign3A_111 : i32
      %ne3A_113 = arith.cmpi ne, %sign3A_105, %sign3A_112 : i32
      %rem3A_114 = arith.remsi %add3A_96, %jit3A_97 : i32
      %ne3A_115 = arith.constant 0 : i32
      %ne3A_116 = arith.cmpi ne, %rem3A_114, %ne3A_115 : i32
      %and3A_117 = arith.andi %ne3A_113, %ne3A_116 : i1
      %sub3A_118 = arith.constant 1 : i32
      %sub3A_119 = arith.subi %div3A_98, %sub3A_118 : i32
      %select_n3A_120 = arith.select %and3A_117, %sub3A_119, %div3A_98 : i32
      "tpu.region"() ({
        %run_scoped3A = tpu.sem_alloc : memref<!tpu.dma_semaphore, #tpu.memory_space<semaphore_mem>>
        %dma_start3A_193 = arith.constant 0 : i32
        %dma_start3A_194 = arith.constant 0 : i32
        %dma_start3A_195 = arith.constant 0 : i32
        %dma_start3A_196 = arith.constant 0 : i32
        %dma_start3A_197 = tpu.memref_slice %arg2[%dma_start3A_193, %dma_start3A_194, %select_n3A_120, %dma_start3A_195, %dma_start3A_196] : memref<3x3x128x8x128xi32, #tpu.memory_space<hbm>> -> memref<3x3x1x8x128xi32, #tpu.memory_space<hbm>>
        %dma_start3A_198 = tpu.memref_squeeze %dma_start3A_197 : memref<3x3x1x8x128xi32, #tpu.memory_space<hbm>> -> memref<3x3x8x128xi32, #tpu.memory_space<hbm>>
        %dma_start3A_199 = arith.constant 0 : i32
        %dma_start3A_200 = arith.constant 0 : i32
        %dma_start3A_201 = arith.constant 0 : i32
        %dma_start3A_202 = arith.constant 0 : i32
        %dma_start3A_203 = tpu.memref_slice %arg2[%dma_start3A_199, %dma_start3A_200, %select_n3A_120, %dma_start3A_201, %dma_start3A_202] : memref<3x3x128x8x128xi32, #tpu.memory_space<hbm>> -> memref<3x3x1x8x128xi32, #tpu.memory_space<hbm>>
        %dma_start3A_204 = tpu.memref_squeeze %dma_start3A_203 : memref<3x3x1x8x128xi32, #tpu.memory_space<hbm>> -> memref<3x3x8x128xi32, #tpu.memory_space<hbm>>
        tpu.enqueue_dma source(%dma_start3A_204 : memref<3x3x8x128xi32, #tpu.memory_space<hbm>>) target(%arg10 : memref<3x3x8x128xi32, #tpu.memory_space<vmem>>) target_semaphore(%run_scoped3A : memref<!tpu.dma_semaphore, #tpu.memory_space<semaphore_mem>>)
        %dma_wait3A_205 = arith.constant 0 : i32
        %dma_wait3A_206 = arith.constant 0 : i32
        %dma_wait3A_207 = arith.constant 0 : i32
        %dma_wait3A_208 = arith.constant 0 : i32
        %dma_wait3A_209 = tpu.memref_slice %arg2[%dma_wait3A_205, %dma_wait3A_206, %select_n3A_120, %dma_wait3A_207, %dma_wait3A_208] : memref<3x3x128x8x128xi32, #tpu.memory_space<hbm>> -> memref<3x3x1x8x128xi32, #tpu.memory_space<hbm>>
        %dma_wait3A_210 = tpu.memref_squeeze %dma_wait3A_209 : memref<3x3x1x8x128xi32, #tpu.memory_space<hbm>> -> memref<3x3x8x128xi32, #tpu.memory_space<hbm>>
        %dma_wait3A_211 = arith.constant 0 : i32
        %dma_wait3A_212 = arith.constant 0 : i32
        %dma_wait3A_213 = arith.constant 0 : i32
        %dma_wait3A_214 = arith.constant 0 : i32
        %dma_wait3A_215 = tpu.memref_slice %arg2[%dma_wait3A_211, %dma_wait3A_212, %select_n3A_120, %dma_wait3A_213, %dma_wait3A_214] : memref<3x3x128x8x128xi32, #tpu.memory_space<hbm>> -> memref<3x3x1x8x128xi32, #tpu.memory_space<hbm>>
        %dma_wait3A_216 = tpu.memref_squeeze %dma_wait3A_215 : memref<3x3x1x8x128xi32, #tpu.memory_space<hbm>> -> memref<3x3x8x128xi32, #tpu.memory_space<hbm>>
        tpu.wait_dma2 semaphore(%run_scoped3A : memref<!tpu.dma_semaphore, #tpu.memory_space<semaphore_mem>>) src(%dma_wait3A_216 : memref<3x3x8x128xi32, #tpu.memory_space<hbm>>) dst(%arg10 : memref<3x3x8x128xi32, #tpu.memory_space<vmem>>)
        tpu.yield
      }) : () -> ()
      "tpu.region"() ({
        %run_scoped3A = tpu.sem_alloc : memref<!tpu.dma_semaphore, #tpu.memory_space<semaphore_mem>>
        %dma_start3A_193 = arith.constant 0 : i32
        %dma_start3A_194 = arith.constant 0 : i32
        %dma_start3A_195 = arith.constant 0 : i32
        %dma_start3A_196 = tpu.memref_slice %arg3[%dma_start3A_193, %select_n3A_120, %dma_start3A_194, %dma_start3A_195] : memref<20x128x2x128xi32, #tpu.memory_space<hbm>> -> memref<20x1x2x128xi32, #tpu.memory_space<hbm>>
        %dma_start3A_197 = tpu.memref_squeeze %dma_start3A_196 : memref<20x1x2x128xi32, #tpu.memory_space<hbm>> -> memref<20x2x128xi32, #tpu.memory_space<hbm>>
        %dma_start3A_198 = arith.constant 0 : i32
        %dma_start3A_199 = arith.constant 0 : i32
        %dma_start3A_200 = arith.constant 0 : i32
        %dma_start3A_201 = tpu.memref_slice %arg3[%dma_start3A_198, %select_n3A_120, %dma_start3A_199, %dma_start3A_200] : memref<20x128x2x128xi32, #tpu.memory_space<hbm>> -> memref<20x1x2x128xi32, #tpu.memory_space<hbm>>
        %dma_start3A_202 = tpu.memref_squeeze %dma_start3A_201 : memref<20x1x2x128xi32, #tpu.memory_space<hbm>> -> memref<20x2x128xi32, #tpu.memory_space<hbm>>
        tpu.enqueue_dma source(%dma_start3A_202 : memref<20x2x128xi32, #tpu.memory_space<hbm>>) target(%arg11 : memref<20x2x128xi32, #tpu.memory_space<vmem>>) target_semaphore(%run_scoped3A : memref<!tpu.dma_semaphore, #tpu.memory_space<semaphore_mem>>)
        %dma_wait3A_203 = arith.constant 0 : i32
        %dma_wait3A_204 = arith.constant 0 : i32
        %dma_wait3A_205 = arith.constant 0 : i32
        %dma_wait3A_206 = tpu.memref_slice %arg3[%dma_wait3A_203, %select_n3A_120, %dma_wait3A_204, %dma_wait3A_205] : memref<20x128x2x128xi32, #tpu.memory_space<hbm>> -> memref<20x1x2x128xi32, #tpu.memory_space<hbm>>
        %dma_wait3A_207 = tpu.memref_squeeze %dma_wait3A_206 : memref<20x1x2x128xi32, #tpu.memory_space<hbm>> -> memref<20x2x128xi32, #tpu.memory_space<hbm>>
        %dma_wait3A_208 = arith.constant 0 : i32
        %dma_wait3A_209 = arith.constant 0 : i32
        %dma_wait3A_210 = arith.constant 0 : i32
        %dma_wait3A_211 = tpu.memref_slice %arg3[%dma_wait3A_208, %select_n3A_120, %dma_wait3A_209, %dma_wait3A_210] : memref<20x128x2x128xi32, #tpu.memory_space<hbm>> -> memref<20x1x2x128xi32, #tpu.memory_space<hbm>>
        %dma_wait3A_212 = tpu.memref_squeeze %dma_wait3A_211 : memref<20x1x2x128xi32, #tpu.memory_space<hbm>> -> memref<20x2x128xi32, #tpu.memory_space<hbm>>
        tpu.wait_dma2 semaphore(%run_scoped3A : memref<!tpu.dma_semaphore, #tpu.memory_space<semaphore_mem>>) src(%dma_wait3A_212 : memref<20x2x128xi32, #tpu.memory_space<hbm>>) dst(%arg11 : memref<20x2x128xi32, #tpu.memory_space<vmem>>)
        tpu.yield
      }) : () -> ()
      %dma_start3A = arith.constant 0 : i32
      %dma_start3A_121 = arith.constant 0 : i32
      %dma_start3A_122 = arith.constant 0 : i32
      %dma_start3A_123 = arith.constant 0 : i32
      %dma_start3A_124 = arith.constant 0 : i32
      %dma_start3A_125 = arith.constant 0 : i32
      %dma_start3A_126 = tpu.memref_slice %arg12[%dma_start3A_123, %dma_start3A_124, %dma_start3A_125] : memref<2x128x64xf32, #tpu.memory_space<vmem>> -> memref<1x128x64xf32, #tpu.memory_space<vmem>>
      %dma_start3A_127 = tpu.memref_squeeze %dma_start3A_126 : memref<1x128x64xf32, #tpu.memory_space<vmem>> -> memref<128x64xf32, #tpu.memory_space<vmem>>
      %dma_start3A_128 = arith.constant 0 : i32
      %dma_start3A_129 = tpu.memref_slice %arg10[%dma_start3A, %dma_start3A_121, %dma_start3A_122, %dma_start3A_128] : memref<3x3x8x128xi32, #tpu.memory_space<vmem>> -> memref<1x1x1x128xi32, #tpu.memory_space<vmem>>
      %dma_start3A_130 = tpu.memref_squeeze %dma_start3A_129 : memref<1x1x1x128xi32, #tpu.memory_space<vmem>> -> memref<128xi32, #tpu.memory_space<vmem>>
      %dma_start3A_131 = arith.constant 0 : i32
      %dma_start3A_132 = arith.constant 0 : i32
      %dma_start3A_133 = tpu.memref_slice %arg4[%dma_start3A_131, %dma_start3A_132] : memref<100000x64xf32, #tpu.memory_space<hbm>> -> memref<100000x64xf32, #tpu.memory_space<hbm>>
      tpu.enqueue_indirect_dma source(%dma_start3A_133 : memref<100000x64xf32, #tpu.memory_space<hbm>>) target(%dma_start3A_127 : memref<128x64xf32, #tpu.memory_space<vmem>>) offsets(%dma_start3A_130 : memref<128xi32, #tpu.memory_space<vmem>>) semaphore(%arg19 : memref<!tpu.dma_semaphore, #tpu.memory_space<semaphore_mem>>)
      %dma_start3A_134 = arith.constant 1 : i32
      %dma_start3A_135 = arith.constant 0 : i32
      %dma_start3A_136 = arith.constant 0 : i32
      %dma_start3A_137 = arith.constant 0 : i32
      %dma_start3A_138 = arith.constant 0 : i32
      %dma_start3A_139 = arith.constant 0 : i32
      %dma_start3A_140 = tpu.memref_slice %arg13[%dma_start3A_137, %dma_start3A_138, %dma_start3A_139] : memref<2x128x64xf32, #tpu.memory_space<vmem>> -> memref<1x128x64xf32, #tpu.memory_space<vmem>>
      %dma_start3A_141 = tpu.memref_squeeze %dma_start3A_140 : memref<1x128x64xf32, #tpu.memory_space<vmem>> -> memref<128x64xf32, #tpu.memory_space<vmem>>
      %dma_start3A_142 = arith.constant 0 : i32
      %dma_start3A_143 = tpu.memref_slice %arg10[%dma_start3A_134, %dma_start3A_135, %dma_start3A_136, %dma_start3A_142] : memref<3x3x8x128xi32, #tpu.memory_space<vmem>> -> memref<1x1x1x128xi32, #tpu.memory_space<vmem>>
      %dma_start3A_144 = tpu.memref_squeeze %dma_start3A_143 : memref<1x1x1x128xi32, #tpu.memory_space<vmem>> -> memref<128xi32, #tpu.memory_space<vmem>>
      %dma_start3A_145 = arith.constant 0 : i32
      %dma_start3A_146 = arith.constant 0 : i32
      %dma_start3A_147 = tpu.memref_slice %arg5[%dma_start3A_145, %dma_start3A_146] : memref<100000x64xf32, #tpu.memory_space<hbm>> -> memref<100000x64xf32, #tpu.memory_space<hbm>>
      tpu.enqueue_indirect_dma source(%dma_start3A_147 : memref<100000x64xf32, #tpu.memory_space<hbm>>) target(%dma_start3A_141 : memref<128x64xf32, #tpu.memory_space<vmem>>) offsets(%dma_start3A_144 : memref<128xi32, #tpu.memory_space<vmem>>) semaphore(%arg19 : memref<!tpu.dma_semaphore, #tpu.memory_space<semaphore_mem>>)
      %dma_start3A_148 = arith.constant 2 : i32
      %dma_start3A_149 = arith.constant 0 : i32
      %dma_start3A_150 = arith.constant 0 : i32
      %dma_start3A_151 = arith.constant 0 : i32
      %dma_start3A_152 = arith.constant 0 : i32
      %dma_start3A_153 = arith.constant 0 : i32
      %dma_start3A_154 = tpu.memref_slice %arg14[%dma_start3A_151, %dma_start3A_152, %dma_start3A_153] : memref<2x128x64xf32, #tpu.memory_space<vmem>> -> memref<1x128x64xf32, #tpu.memory_space<vmem>>
      %dma_start3A_155 = tpu.memref_squeeze %dma_start3A_154 : memref<1x128x64xf32, #tpu.memory_space<vmem>> -> memref<128x64xf32, #tpu.memory_space<vmem>>
      %dma_start3A_156 = arith.constant 0 : i32
      %dma_start3A_157 = tpu.memref_slice %arg10[%dma_start3A_148, %dma_start3A_149, %dma_start3A_150, %dma_start3A_156] : memref<3x3x8x128xi32, #tpu.memory_space<vmem>> -> memref<1x1x1x128xi32, #tpu.memory_space<vmem>>
      %dma_start3A_158 = tpu.memref_squeeze %dma_start3A_157 : memref<1x1x1x128xi32, #tpu.memory_space<vmem>> -> memref<128xi32, #tpu.memory_space<vmem>>
      %dma_start3A_159 = arith.constant 0 : i32
      %dma_start3A_160 = arith.constant 0 : i32
      %dma_start3A_161 = tpu.memref_slice %arg6[%dma_start3A_159, %dma_start3A_160] : memref<100000x64xf32, #tpu.memory_space<hbm>> -> memref<100000x64xf32, #tpu.memory_space<hbm>>
      tpu.enqueue_indirect_dma source(%dma_start3A_161 : memref<100000x64xf32, #tpu.memory_space<hbm>>) target(%dma_start3A_155 : memref<128x64xf32, #tpu.memory_space<vmem>>) offsets(%dma_start3A_158 : memref<128xi32, #tpu.memory_space<vmem>>) semaphore(%arg19 : memref<!tpu.dma_semaphore, #tpu.memory_space<semaphore_mem>>)
      %dma_start3A_162 = arith.constant 0 : i32
      %dma_start3A_163 = arith.constant 0 : i32
      %dma_start3A_164 = arith.constant 0 : i32
      %dma_start3A_165 = arith.constant 0 : i32
      %dma_start3A_166 = arith.constant 0 : i32
      %dma_start3A_167 = tpu.memref_slice %arg15[%dma_start3A_164, %dma_start3A_165, %dma_start3A_166] : memref<2x128x32xf32, #tpu.memory_space<vmem>> -> memref<1x128x32xf32, #tpu.memory_space<vmem>>
      %dma_start3A_168 = tpu.memref_squeeze %dma_start3A_167 : memref<1x128x32xf32, #tpu.memory_space<vmem>> -> memref<128x32xf32, #tpu.memory_space<vmem>>
      %dma_start3A_169 = arith.constant 0 : i32
      %dma_start3A_170 = tpu.memref_slice %arg11[%dma_start3A_162, %dma_start3A_163, %dma_start3A_169] : memref<20x2x128xi32, #tpu.memory_space<vmem>> -> memref<1x1x128xi32, #tpu.memory_space<vmem>>
      %dma_start3A_171 = tpu.memref_squeeze %dma_start3A_170 : memref<1x1x128xi32, #tpu.memory_space<vmem>> -> memref<128xi32, #tpu.memory_space<vmem>>
      %dma_start3A_172 = arith.constant 0 : i32
      %dma_start3A_173 = arith.constant 0 : i32
      %dma_start3A_174 = tpu.memref_slice %arg7[%dma_start3A_172, %dma_start3A_173] : memref<1024x32xf32, #tpu.memory_space<hbm>> -> memref<1024x32xf32, #tpu.memory_space<hbm>>
      tpu.enqueue_indirect_dma source(%dma_start3A_174 : memref<1024x32xf32, #tpu.memory_space<hbm>>) target(%dma_start3A_168 : memref<128x32xf32, #tpu.memory_space<vmem>>) offsets(%dma_start3A_171 : memref<128xi32, #tpu.memory_space<vmem>>) semaphore(%arg19 : memref<!tpu.dma_semaphore, #tpu.memory_space<semaphore_mem>>)
      %dma_start3A_175 = arith.constant 0 : i32
      %dma_start3A_176 = arith.constant 1 : i32
      %dma_start3A_177 = arith.constant 0 : i32
      %dma_start3A_178 = arith.constant 0 : i32
      %dma_start3A_179 = arith.constant 0 : i32
      %dma_start3A_180 = tpu.memref_slice %arg16[%dma_start3A_177, %dma_start3A_178, %dma_start3A_179] : memref<2x128x32xf32, #tpu.memory_space<vmem>> -> memref<1x128x32xf32, #tpu.memory_space<vmem>>
      %dma_start3A_181 = tpu.memref_squeeze %dma_start3A_180 : memref<1x128x32xf32, #tpu.memory_space<vmem>> -> memref<128x32xf32, #tpu.memory_space<vmem>>
      %dma_start3A_182 = arith.constant 0 : i32
      %dma_start3A_183 = tpu.memref_slice %arg11[%dma_start3A_175, %dma_start3A_176, %dma_start3A_182] : memref<20x2x128xi32, #tpu.memory_space<vmem>> -> memref<1x1x128xi32, #tpu.memory_space<vmem>>
      %dma_start3A_184 = tpu.memref_squeeze %dma_start3A_183 : memref<1x1x128xi32, #tpu.memory_space<vmem>> -> memref<128xi32, #tpu.memory_space<vmem>>
      %dma_start3A_185 = arith.constant 0 : i32
      %dma_start3A_186 = arith.constant 0 : i32
      %dma_start3A_187 = tpu.memref_slice %arg8[%dma_start3A_185, %dma_start3A_186] : memref<1024x32xf32, #tpu.memory_space<hbm>> -> memref<1024x32xf32, #tpu.memory_space<hbm>>
      tpu.enqueue_indirect_dma source(%dma_start3A_187 : memref<1024x32xf32, #tpu.memory_space<hbm>>) target(%dma_start3A_181 : memref<128x32xf32, #tpu.memory_space<vmem>>) offsets(%dma_start3A_184 : memref<128xi32, #tpu.memory_space<vmem>>) semaphore(%arg19 : memref<!tpu.dma_semaphore, #tpu.memory_space<semaphore_mem>>)
      %scan3A_188 = arith.constant 0 : i32
      %scan3A_189 = arith.constant 10 : i32
      %scan3A_190 = arith.addi %scan3A_188, %scan3A_189 : i32
      %scan3A_191 = arith.constant 1 : i32
      scf.for %scan3A_193 = %scan3A_188 to %scan3A_190 step %scan3A_191  : i32 {
        %mul3A_194 = arith.constant 2 : i32
        %mul3A_195 = arith.muli %scan3A_193, %mul3A_194 : i32
        %add3A_196 = arith.constant 0 : i32
        %add3A_197 = arith.addi %add3A_196, %mul3A_195 : i32
        %add3A_198 = arith.constant 0 : i32
        %add3A_199 = arith.addi %add3A_197, %add3A_198 : i32
        %add3A_200 = arith.constant 1 : i32
        %add3A_201 = arith.addi %add3A_199, %add3A_200 : i32
        %lt3A_202 = arith.constant 20 : i32
        %lt3A_203 = arith.cmpi slt, %add3A_201, %lt3A_202 : i32
        %convert_element_type3A = arith.extui %lt3A_203 : i1 to i32
        %cond3A = arith.constant 0 : i32
        %cond3A_204 = arith.cmpi ne, %convert_element_type3A, %cond3A : i32
        scf.if %cond3A_204 {
          %jit3A_475 = arith.constant 8 : i32
          %div3A_476 = arith.divsi %add3A_201, %jit3A_475 : i32
          %sign3A_477 = arith.constant 0 : i32
          %sign3A_478 = arith.cmpi sgt, %add3A_201, %sign3A_477 : i32
          %sign3A_479 = arith.extui %sign3A_478 : i1 to i32
          %sign3A_480 = arith.constant 0 : i32
          %sign3A_481 = arith.cmpi slt, %add3A_201, %sign3A_480 : i32
          %sign3A_482 = arith.extui %sign3A_481 : i1 to i32
          %sign3A_483 = arith.subi %sign3A_479, %sign3A_482 : i32
          %sign3A_484 = arith.constant 0 : i32
          %sign3A_485 = arith.cmpi sgt, %jit3A_475, %sign3A_484 : i32
          %sign3A_486 = arith.extui %sign3A_485 : i1 to i32
          %sign3A_487 = arith.constant 0 : i32
          %sign3A_488 = arith.cmpi slt, %jit3A_475, %sign3A_487 : i32
          %sign3A_489 = arith.extui %sign3A_488 : i1 to i32
          %sign3A_490 = arith.subi %sign3A_486, %sign3A_489 : i32
          %ne3A_491 = arith.cmpi ne, %sign3A_483, %sign3A_490 : i32
          %rem3A_492 = arith.remsi %add3A_201, %jit3A_475 : i32
          %ne3A_493 = arith.constant 0 : i32
          %ne3A_494 = arith.cmpi ne, %rem3A_492, %ne3A_493 : i32
          %and3A_495 = arith.andi %ne3A_491, %ne3A_494 : i1
          %sub3A_496 = arith.constant 1 : i32
          %sub3A_497 = arith.subi %div3A_476, %sub3A_496 : i32
          %select_n3A_498 = arith.select %and3A_495, %sub3A_497, %div3A_476 : i32
          %jit3A_499 = arith.constant 8 : i32
          %eq3A_500 = arith.constant 0 : i32
          %eq3A_501 = arith.cmpi eq, %jit3A_499, %eq3A_500 : i32
          %jit3A_502 = arith.constant 1 : i32
          %select_n3A_503 = arith.select %eq3A_501, %jit3A_502, %jit3A_499 : i32
          %rem3A_504 = arith.remsi %add3A_201, %select_n3A_503 : i32
          %ne3A_505 = arith.constant 0 : i32
          %ne3A_506 = arith.cmpi ne, %rem3A_504, %ne3A_505 : i32
          %lt3A_507 = arith.constant 0 : i32
          %lt3A_508 = arith.cmpi slt, %rem3A_504, %lt3A_507 : i32
          %lt3A_509 = arith.constant 0 : i32
          %lt3A_510 = arith.cmpi slt, %select_n3A_503, %lt3A_509 : i32
          %ne3A_511 = arith.xori %lt3A_508, %lt3A_510 : i1
          %and3A_512 = arith.andi %ne3A_511, %ne3A_506 : i1
          %add3A_513 = arith.addi %rem3A_504, %select_n3A_503 : i32
          %select_n3A_514 = arith.select %and3A_512, %add3A_513, %rem3A_504 : i32
          %dma_start3A_515 = arith.constant 0 : i32
          %dma_start3A_516 = arith.constant 1 : i32
          %dma_start3A_517 = arith.constant 0 : i32
          %dma_start3A_518 = arith.constant 0 : i32
          %dma_start3A_519 = tpu.memref_slice %arg12[%dma_start3A_516, %dma_start3A_517, %dma_start3A_518] : memref<2x128x64xf32, #tpu.memory_space<vmem>> -> memref<1x128x64xf32, #tpu.memory_space<vmem>>
          %dma_start3A_520 = tpu.memref_squeeze %dma_start3A_519 : memref<1x128x64xf32, #tpu.memory_space<vmem>> -> memref<128x64xf32, #tpu.memory_space<vmem>>
          %dma_start3A_521 = arith.constant 0 : i32
          %dma_start3A_522 = tpu.memref_slice %arg10[%dma_start3A_515, %select_n3A_498, %select_n3A_514, %dma_start3A_521] : memref<3x3x8x128xi32, #tpu.memory_space<vmem>> -> memref<1x1x1x128xi32, #tpu.memory_space<vmem>>
          %dma_start3A_523 = tpu.memref_squeeze %dma_start3A_522 : memref<1x1x1x128xi32, #tpu.memory_space<vmem>> -> memref<128xi32, #tpu.memory_space<vmem>>
          %dma_start3A_524 = arith.constant 0 : i32
          %dma_start3A_525 = arith.constant 0 : i32
          %dma_start3A_526 = tpu.memref_slice %arg4[%dma_start3A_524, %dma_start3A_525] : memref<100000x64xf32, #tpu.memory_space<hbm>> -> memref<100000x64xf32, #tpu.memory_space<hbm>>
          tpu.enqueue_indirect_dma source(%dma_start3A_526 : memref<100000x64xf32, #tpu.memory_space<hbm>>) target(%dma_start3A_520 : memref<128x64xf32, #tpu.memory_space<vmem>>) offsets(%dma_start3A_523 : memref<128xi32, #tpu.memory_space<vmem>>) semaphore(%arg20 : memref<!tpu.dma_semaphore, #tpu.memory_space<semaphore_mem>>)
          %dma_start3A_527 = arith.constant 1 : i32
          %dma_start3A_528 = arith.constant 1 : i32
          %dma_start3A_529 = arith.constant 0 : i32
          %dma_start3A_530 = arith.constant 0 : i32
          %dma_start3A_531 = tpu.memref_slice %arg13[%dma_start3A_528, %dma_start3A_529, %dma_start3A_530] : memref<2x128x64xf32, #tpu.memory_space<vmem>> -> memref<1x128x64xf32, #tpu.memory_space<vmem>>
          %dma_start3A_532 = tpu.memref_squeeze %dma_start3A_531 : memref<1x128x64xf32, #tpu.memory_space<vmem>> -> memref<128x64xf32, #tpu.memory_space<vmem>>
          %dma_start3A_533 = arith.constant 0 : i32
          %dma_start3A_534 = tpu.memref_slice %arg10[%dma_start3A_527, %select_n3A_498, %select_n3A_514, %dma_start3A_533] : memref<3x3x8x128xi32, #tpu.memory_space<vmem>> -> memref<1x1x1x128xi32, #tpu.memory_space<vmem>>
          %dma_start3A_535 = tpu.memref_squeeze %dma_start3A_534 : memref<1x1x1x128xi32, #tpu.memory_space<vmem>> -> memref<128xi32, #tpu.memory_space<vmem>>
          %dma_start3A_536 = arith.constant 0 : i32
          %dma_start3A_537 = arith.constant 0 : i32
          %dma_start3A_538 = tpu.memref_slice %arg5[%dma_start3A_536, %dma_start3A_537] : memref<100000x64xf32, #tpu.memory_space<hbm>> -> memref<100000x64xf32, #tpu.memory_space<hbm>>
          tpu.enqueue_indirect_dma source(%dma_start3A_538 : memref<100000x64xf32, #tpu.memory_space<hbm>>) target(%dma_start3A_532 : memref<128x64xf32, #tpu.memory_space<vmem>>) offsets(%dma_start3A_535 : memref<128xi32, #tpu.memory_space<vmem>>) semaphore(%arg20 : memref<!tpu.dma_semaphore, #tpu.memory_space<semaphore_mem>>)
          %dma_start3A_539 = arith.constant 2 : i32
          %dma_start3A_540 = arith.constant 1 : i32
          %dma_start3A_541 = arith.constant 0 : i32
          %dma_start3A_542 = arith.constant 0 : i32
          %dma_start3A_543 = tpu.memref_slice %arg14[%dma_start3A_540, %dma_start3A_541, %dma_start3A_542] : memref<2x128x64xf32, #tpu.memory_space<vmem>> -> memref<1x128x64xf32, #tpu.memory_space<vmem>>
          %dma_start3A_544 = tpu.memref_squeeze %dma_start3A_543 : memref<1x128x64xf32, #tpu.memory_space<vmem>> -> memref<128x64xf32, #tpu.memory_space<vmem>>
          %dma_start3A_545 = arith.constant 0 : i32
          %dma_start3A_546 = tpu.memref_slice %arg10[%dma_start3A_539, %select_n3A_498, %select_n3A_514, %dma_start3A_545] : memref<3x3x8x128xi32, #tpu.memory_space<vmem>> -> memref<1x1x1x128xi32, #tpu.memory_space<vmem>>
          %dma_start3A_547 = tpu.memref_squeeze %dma_start3A_546 : memref<1x1x1x128xi32, #tpu.memory_space<vmem>> -> memref<128xi32, #tpu.memory_space<vmem>>
          %dma_start3A_548 = arith.constant 0 : i32
          %dma_start3A_549 = arith.constant 0 : i32
          %dma_start3A_550 = tpu.memref_slice %arg6[%dma_start3A_548, %dma_start3A_549] : memref<100000x64xf32, #tpu.memory_space<hbm>> -> memref<100000x64xf32, #tpu.memory_space<hbm>>
          tpu.enqueue_indirect_dma source(%dma_start3A_550 : memref<100000x64xf32, #tpu.memory_space<hbm>>) target(%dma_start3A_544 : memref<128x64xf32, #tpu.memory_space<vmem>>) offsets(%dma_start3A_547 : memref<128xi32, #tpu.memory_space<vmem>>) semaphore(%arg20 : memref<!tpu.dma_semaphore, #tpu.memory_space<semaphore_mem>>)
          %dma_start3A_551 = arith.constant 0 : i32
          %dma_start3A_552 = arith.constant 1 : i32
          %dma_start3A_553 = arith.constant 0 : i32
          %dma_start3A_554 = arith.constant 0 : i32
          %dma_start3A_555 = tpu.memref_slice %arg15[%dma_start3A_552, %dma_start3A_553, %dma_start3A_554] : memref<2x128x32xf32, #tpu.memory_space<vmem>> -> memref<1x128x32xf32, #tpu.memory_space<vmem>>
          %dma_start3A_556 = tpu.memref_squeeze %dma_start3A_555 : memref<1x128x32xf32, #tpu.memory_space<vmem>> -> memref<128x32xf32, #tpu.memory_space<vmem>>
          %dma_start3A_557 = arith.constant 0 : i32
          %dma_start3A_558 = tpu.memref_slice %arg11[%add3A_201, %dma_start3A_551, %dma_start3A_557] : memref<20x2x128xi32, #tpu.memory_space<vmem>> -> memref<1x1x128xi32, #tpu.memory_space<vmem>>
          %dma_start3A_559 = tpu.memref_squeeze %dma_start3A_558 : memref<1x1x128xi32, #tpu.memory_space<vmem>> -> memref<128xi32, #tpu.memory_space<vmem>>
          %dma_start3A_560 = arith.constant 0 : i32
          %dma_start3A_561 = arith.constant 0 : i32
          %dma_start3A_562 = tpu.memref_slice %arg7[%dma_start3A_560, %dma_start3A_561] : memref<1024x32xf32, #tpu.memory_space<hbm>> -> memref<1024x32xf32, #tpu.memory_space<hbm>>
          tpu.enqueue_indirect_dma source(%dma_start3A_562 : memref<1024x32xf32, #tpu.memory_space<hbm>>) target(%dma_start3A_556 : memref<128x32xf32, #tpu.memory_space<vmem>>) offsets(%dma_start3A_559 : memref<128xi32, #tpu.memory_space<vmem>>) semaphore(%arg20 : memref<!tpu.dma_semaphore, #tpu.memory_space<semaphore_mem>>)
          %dma_start3A_563 = arith.constant 1 : i32
          %dma_start3A_564 = arith.constant 1 : i32
          %dma_start3A_565 = arith.constant 0 : i32
          %dma_start3A_566 = arith.constant 0 : i32
          %dma_start3A_567 = tpu.memref_slice %arg16[%dma_start3A_564, %dma_start3A_565, %dma_start3A_566] : memref<2x128x32xf32, #tpu.memory_space<vmem>> -> memref<1x128x32xf32, #tpu.memory_space<vmem>>
          %dma_start3A_568 = tpu.memref_squeeze %dma_start3A_567 : memref<1x128x32xf32, #tpu.memory_space<vmem>> -> memref<128x32xf32, #tpu.memory_space<vmem>>
          %dma_start3A_569 = arith.constant 0 : i32
          %dma_start3A_570 = tpu.memref_slice %arg11[%add3A_201, %dma_start3A_563, %dma_start3A_569] : memref<20x2x128xi32, #tpu.memory_space<vmem>> -> memref<1x1x128xi32, #tpu.memory_space<vmem>>
          %dma_start3A_571 = tpu.memref_squeeze %dma_start3A_570 : memref<1x1x128xi32, #tpu.memory_space<vmem>> -> memref<128xi32, #tpu.memory_space<vmem>>
          %dma_start3A_572 = arith.constant 0 : i32
          %dma_start3A_573 = arith.constant 0 : i32
          %dma_start3A_574 = tpu.memref_slice %arg8[%dma_start3A_572, %dma_start3A_573] : memref<1024x32xf32, #tpu.memory_space<hbm>> -> memref<1024x32xf32, #tpu.memory_space<hbm>>
          tpu.enqueue_indirect_dma source(%dma_start3A_574 : memref<1024x32xf32, #tpu.memory_space<hbm>>) target(%dma_start3A_568 : memref<128x32xf32, #tpu.memory_space<vmem>>) offsets(%dma_start3A_571 : memref<128xi32, #tpu.memory_space<vmem>>) semaphore(%arg20 : memref<!tpu.dma_semaphore, #tpu.memory_space<semaphore_mem>>)
        } else {
        }
        %jit3A_205 = arith.constant 8 : i32
        %div3A_206 = arith.divsi %add3A_199, %jit3A_205 : i32
        %sign3A_207 = arith.constant 0 : i32
        %sign3A_208 = arith.cmpi sgt, %add3A_199, %sign3A_207 : i32
        %sign3A_209 = arith.extui %sign3A_208 : i1 to i32
        %sign3A_210 = arith.constant 0 : i32
        %sign3A_211 = arith.cmpi slt, %add3A_199, %sign3A_210 : i32
        %sign3A_212 = arith.extui %sign3A_211 : i1 to i32
        %sign3A_213 = arith.subi %sign3A_209, %sign3A_212 : i32
        %sign3A_214 = arith.constant 0 : i32
        %sign3A_215 = arith.cmpi sgt, %jit3A_205, %sign3A_214 : i32
        %sign3A_216 = arith.extui %sign3A_215 : i1 to i32
        %sign3A_217 = arith.constant 0 : i32
        %sign3A_218 = arith.cmpi slt, %jit3A_205, %sign3A_217 : i32
        %sign3A_219 = arith.extui %sign3A_218 : i1 to i32
        %sign3A_220 = arith.subi %sign3A_216, %sign3A_219 : i32
        %ne3A_221 = arith.cmpi ne, %sign3A_213, %sign3A_220 : i32
        %rem3A_222 = arith.remsi %add3A_199, %jit3A_205 : i32
        %ne3A_223 = arith.constant 0 : i32
        %ne3A_224 = arith.cmpi ne, %rem3A_222, %ne3A_223 : i32
        %and3A_225 = arith.andi %ne3A_221, %ne3A_224 : i1
        %sub3A_226 = arith.constant 1 : i32
        %sub3A_227 = arith.subi %div3A_206, %sub3A_226 : i32
        %select_n3A_228 = arith.select %and3A_225, %sub3A_227, %div3A_206 : i32
        %jit3A_229 = arith.constant 8 : i32
        %eq3A_230 = arith.constant 0 : i32
        %eq3A_231 = arith.cmpi eq, %jit3A_229, %eq3A_230 : i32
        %jit3A_232 = arith.constant 1 : i32
        %select_n3A_233 = arith.select %eq3A_231, %jit3A_232, %jit3A_229 : i32
        %rem3A_234 = arith.remsi %add3A_199, %select_n3A_233 : i32
        %ne3A_235 = arith.constant 0 : i32
        %ne3A_236 = arith.cmpi ne, %rem3A_234, %ne3A_235 : i32
        %lt3A_237 = arith.constant 0 : i32
        %lt3A_238 = arith.cmpi slt, %rem3A_234, %lt3A_237 : i32
        %lt3A_239 = arith.constant 0 : i32
        %lt3A_240 = arith.cmpi slt, %select_n3A_233, %lt3A_239 : i32
        %ne3A_241 = arith.xori %lt3A_238, %lt3A_240 : i1
        %and3A_242 = arith.andi %ne3A_241, %ne3A_236 : i1
        %add3A_243 = arith.addi %rem3A_234, %select_n3A_233 : i32
        %select_n3A_244 = arith.select %and3A_242, %add3A_243, %rem3A_234 : i32
        %dma_wait3A_245 = arith.constant 0 : i32
        %dma_wait3A_246 = arith.constant 0 : i32
        %dma_wait3A_247 = arith.constant 0 : i32
        %dma_wait3A_248 = arith.constant 0 : i32
        %dma_wait3A_249 = tpu.memref_slice %arg12[%dma_wait3A_246, %dma_wait3A_247, %dma_wait3A_248] : memref<2x128x64xf32, #tpu.memory_space<vmem>> -> memref<1x128x64xf32, #tpu.memory_space<vmem>>
        %dma_wait3A_250 = tpu.memref_squeeze %dma_wait3A_249 : memref<1x128x64xf32, #tpu.memory_space<vmem>> -> memref<128x64xf32, #tpu.memory_space<vmem>>
        %dma_wait3A_251 = arith.constant 0 : i32
        %dma_wait3A_252 = tpu.memref_slice %arg10[%dma_wait3A_245, %select_n3A_228, %select_n3A_244, %dma_wait3A_251] : memref<3x3x8x128xi32, #tpu.memory_space<vmem>> -> memref<1x1x1x128xi32, #tpu.memory_space<vmem>>
        %dma_wait3A_253 = tpu.memref_squeeze %dma_wait3A_252 : memref<1x1x1x128xi32, #tpu.memory_space<vmem>> -> memref<128xi32, #tpu.memory_space<vmem>>
        %dma_wait3A_254 = arith.constant 0 : i32
        %dma_wait3A_255 = arith.constant 0 : i32
        %dma_wait3A_256 = tpu.memref_slice %arg4[%dma_wait3A_254, %dma_wait3A_255] : memref<100000x64xf32, #tpu.memory_space<hbm>> -> memref<100000x64xf32, #tpu.memory_space<hbm>>
        tpu.wait_indirect_dma semaphore(%arg19 : memref<!tpu.dma_semaphore, #tpu.memory_space<semaphore_mem>>) src(%dma_wait3A_256 : memref<100000x64xf32, #tpu.memory_space<hbm>>) dst(%dma_wait3A_250 : memref<128x64xf32, #tpu.memory_space<vmem>>)
        %dma_wait3A_257 = arith.constant 1 : i32
        %dma_wait3A_258 = arith.constant 0 : i32
        %dma_wait3A_259 = arith.constant 0 : i32
        %dma_wait3A_260 = arith.constant 0 : i32
        %dma_wait3A_261 = tpu.memref_slice %arg13[%dma_wait3A_258, %dma_wait3A_259, %dma_wait3A_260] : memref<2x128x64xf32, #tpu.memory_space<vmem>> -> memref<1x128x64xf32, #tpu.memory_space<vmem>>
        %dma_wait3A_262 = tpu.memref_squeeze %dma_wait3A_261 : memref<1x128x64xf32, #tpu.memory_space<vmem>> -> memref<128x64xf32, #tpu.memory_space<vmem>>
        %dma_wait3A_263 = arith.constant 0 : i32
        %dma_wait3A_264 = tpu.memref_slice %arg10[%dma_wait3A_257, %select_n3A_228, %select_n3A_244, %dma_wait3A_263] : memref<3x3x8x128xi32, #tpu.memory_space<vmem>> -> memref<1x1x1x128xi32, #tpu.memory_space<vmem>>
        %dma_wait3A_265 = tpu.memref_squeeze %dma_wait3A_264 : memref<1x1x1x128xi32, #tpu.memory_space<vmem>> -> memref<128xi32, #tpu.memory_space<vmem>>
        %dma_wait3A_266 = arith.constant 0 : i32
        %dma_wait3A_267 = arith.constant 0 : i32
        %dma_wait3A_268 = tpu.memref_slice %arg5[%dma_wait3A_266, %dma_wait3A_267] : memref<100000x64xf32, #tpu.memory_space<hbm>> -> memref<100000x64xf32, #tpu.memory_space<hbm>>
        tpu.wait_indirect_dma semaphore(%arg19 : memref<!tpu.dma_semaphore, #tpu.memory_space<semaphore_mem>>) src(%dma_wait3A_268 : memref<100000x64xf32, #tpu.memory_space<hbm>>) dst(%dma_wait3A_262 : memref<128x64xf32, #tpu.memory_space<vmem>>)
        %dma_wait3A_269 = arith.constant 2 : i32
        %dma_wait3A_270 = arith.constant 0 : i32
        %dma_wait3A_271 = arith.constant 0 : i32
        %dma_wait3A_272 = arith.constant 0 : i32
        %dma_wait3A_273 = tpu.memref_slice %arg14[%dma_wait3A_270, %dma_wait3A_271, %dma_wait3A_272] : memref<2x128x64xf32, #tpu.memory_space<vmem>> -> memref<1x128x64xf32, #tpu.memory_space<vmem>>
        %dma_wait3A_274 = tpu.memref_squeeze %dma_wait3A_273 : memref<1x128x64xf32, #tpu.memory_space<vmem>> -> memref<128x64xf32, #tpu.memory_space<vmem>>
        %dma_wait3A_275 = arith.constant 0 : i32
        %dma_wait3A_276 = tpu.memref_slice %arg10[%dma_wait3A_269, %select_n3A_228, %select_n3A_244, %dma_wait3A_275] : memref<3x3x8x128xi32, #tpu.memory_space<vmem>> -> memref<1x1x1x128xi32, #tpu.memory_space<vmem>>
        %dma_wait3A_277 = tpu.memref_squeeze %dma_wait3A_276 : memref<1x1x1x128xi32, #tpu.memory_space<vmem>> -> memref<128xi32, #tpu.memory_space<vmem>>
        %dma_wait3A_278 = arith.constant 0 : i32
        %dma_wait3A_279 = arith.constant 0 : i32
        %dma_wait3A_280 = tpu.memref_slice %arg6[%dma_wait3A_278, %dma_wait3A_279] : memref<100000x64xf32, #tpu.memory_space<hbm>> -> memref<100000x64xf32, #tpu.memory_space<hbm>>
        tpu.wait_indirect_dma semaphore(%arg19 : memref<!tpu.dma_semaphore, #tpu.memory_space<semaphore_mem>>) src(%dma_wait3A_280 : memref<100000x64xf32, #tpu.memory_space<hbm>>) dst(%dma_wait3A_274 : memref<128x64xf32, #tpu.memory_space<vmem>>)
        %dma_wait3A_281 = arith.constant 0 : i32
        %dma_wait3A_282 = arith.constant 0 : i32
        %dma_wait3A_283 = arith.constant 0 : i32
        %dma_wait3A_284 = arith.constant 0 : i32
        %dma_wait3A_285 = tpu.memref_slice %arg15[%dma_wait3A_282, %dma_wait3A_283, %dma_wait3A_284] : memref<2x128x32xf32, #tpu.memory_space<vmem>> -> memref<1x128x32xf32, #tpu.memory_space<vmem>>
        %dma_wait3A_286 = tpu.memref_squeeze %dma_wait3A_285 : memref<1x128x32xf32, #tpu.memory_space<vmem>> -> memref<128x32xf32, #tpu.memory_space<vmem>>
        %dma_wait3A_287 = arith.constant 0 : i32
        %dma_wait3A_288 = tpu.memref_slice %arg11[%add3A_199, %dma_wait3A_281, %dma_wait3A_287] : memref<20x2x128xi32, #tpu.memory_space<vmem>> -> memref<1x1x128xi32, #tpu.memory_space<vmem>>
        %dma_wait3A_289 = tpu.memref_squeeze %dma_wait3A_288 : memref<1x1x128xi32, #tpu.memory_space<vmem>> -> memref<128xi32, #tpu.memory_space<vmem>>
        %dma_wait3A_290 = arith.constant 0 : i32
        %dma_wait3A_291 = arith.constant 0 : i32
        %dma_wait3A_292 = tpu.memref_slice %arg7[%dma_wait3A_290, %dma_wait3A_291] : memref<1024x32xf32, #tpu.memory_space<hbm>> -> memref<1024x32xf32, #tpu.memory_space<hbm>>
        tpu.wait_indirect_dma semaphore(%arg19 : memref<!tpu.dma_semaphore, #tpu.memory_space<semaphore_mem>>) src(%dma_wait3A_292 : memref<1024x32xf32, #tpu.memory_space<hbm>>) dst(%dma_wait3A_286 : memref<128x32xf32, #tpu.memory_space<vmem>>)
        %dma_wait3A_293 = arith.constant 1 : i32
        %dma_wait3A_294 = arith.constant 0 : i32
        %dma_wait3A_295 = arith.constant 0 : i32
        %dma_wait3A_296 = arith.constant 0 : i32
        %dma_wait3A_297 = tpu.memref_slice %arg16[%dma_wait3A_294, %dma_wait3A_295, %dma_wait3A_296] : memref<2x128x32xf32, #tpu.memory_space<vmem>> -> memref<1x128x32xf32, #tpu.memory_space<vmem>>
        %dma_wait3A_298 = tpu.memref_squeeze %dma_wait3A_297 : memref<1x128x32xf32, #tpu.memory_space<vmem>> -> memref<128x32xf32, #tpu.memory_space<vmem>>
        %dma_wait3A_299 = arith.constant 0 : i32
        %dma_wait3A_300 = tpu.memref_slice %arg11[%add3A_199, %dma_wait3A_293, %dma_wait3A_299] : memref<20x2x128xi32, #tpu.memory_space<vmem>> -> memref<1x1x128xi32, #tpu.memory_space<vmem>>
        %dma_wait3A_301 = tpu.memref_squeeze %dma_wait3A_300 : memref<1x1x128xi32, #tpu.memory_space<vmem>> -> memref<128xi32, #tpu.memory_space<vmem>>
        %dma_wait3A_302 = arith.constant 0 : i32
        %dma_wait3A_303 = arith.constant 0 : i32
        %dma_wait3A_304 = tpu.memref_slice %arg8[%dma_wait3A_302, %dma_wait3A_303] : memref<1024x32xf32, #tpu.memory_space<hbm>> -> memref<1024x32xf32, #tpu.memory_space<hbm>>
        tpu.wait_indirect_dma semaphore(%arg19 : memref<!tpu.dma_semaphore, #tpu.memory_space<semaphore_mem>>) src(%dma_wait3A_304 : memref<1024x32xf32, #tpu.memory_space<hbm>>) dst(%dma_wait3A_298 : memref<128x32xf32, #tpu.memory_space<vmem>>)
        %scan3A_305 = arith.constant 0 : i32
        %scan3A_306 = arith.constant 128 : i32
        %scan3A_307 = arith.addi %scan3A_305, %scan3A_306 : i32
        %scan3A_308 = arith.constant 1 : i32
        scf.for %scan3A_475 = %scan3A_305 to %scan3A_307 step %scan3A_308  : i32 {
          %broadcast_in_dim3A = arith.constant 0 : i32
          %broadcast_in_dim3A_476 = vector.broadcast %broadcast_in_dim3A : i32 to vector<16xi32>
          %add3A_477 = vector.broadcast %scan3A_475 : i32 to vector<16xi32>
          %add3A_478 = arith.addi %broadcast_in_dim3A_476, %add3A_477 : vector<16xi32>
          %get3A = arith.constant 0 : i32
          %get3A_479 = arith.index_cast %get3A : i32 to index
          %get3A_480 = arith.index_cast %scan3A_475 : i32 to index
          %get3A_481 = arith.constant 0 : index
          %get3A_482 = tpu.vector_load %arg12[%get3A_479, %get3A_480, %get3A_481] {strides = array<i32>} : memref<2x128x64xf32, #tpu.memory_space<vmem>>, vector<16xf32>,
          %get3A_483 = arith.constant 0 : i32
          %get3A_484 = arith.index_cast %get3A_483 : i32 to index
          %get3A_485 = arith.index_cast %scan3A_475 : i32 to index
          %get3A_486 = arith.constant 0 : index
          %get3A_487 = tpu.vector_load %arg13[%get3A_484, %get3A_485, %get3A_486] {strides = array<i32>} : memref<2x128x64xf32, #tpu.memory_space<vmem>>, vector<16xf32>,
          %add3A_488 = arith.addf %get3A_482, %get3A_487 : vector<16xf32>
          %get3A_489 = arith.constant 0 : i32
          %get3A_490 = arith.index_cast %get3A_489 : i32 to index
          %get3A_491 = arith.index_cast %scan3A_475 : i32 to index
          %get3A_492 = arith.constant 0 : index
          %get3A_493 = tpu.vector_load %arg14[%get3A_490, %get3A_491, %get3A_492] {strides = array<i32>} : memref<2x128x64xf32, #tpu.memory_space<vmem>>, vector<16xf32>,
          %add3A_494 = arith.addf %add3A_488, %get3A_493 : vector<16xf32>
          %add3A_495 = arith.constant 0 : i32
          %add3A_496 = vector.broadcast %add3A_495 : i32 to vector<16xi32>
          %add3A_497 = arith.addi %select_n3A, %add3A_496 : vector<16xi32>
          tpu.vector_store_idx %arg17[%add3A_497, %select_n3A_43, %add3A_478], %add3A_494 : memref<12x8x129xf32, #tpu.memory_space<vmem>>[vector<16xi32>, vector<16xi32>, vector<16xi32>], vector<16xf32>,
          %get3A_498 = arith.constant 0 : i32
          %get3A_499 = arith.index_cast %get3A_498 : i32 to index
          %get3A_500 = arith.index_cast %scan3A_475 : i32 to index
          %get3A_501 = arith.constant 16 : index
          %get3A_502 = tpu.vector_load %arg12[%get3A_499, %get3A_500, %get3A_501] {strides = array<i32>} : memref<2x128x64xf32, #tpu.memory_space<vmem>>, vector<16xf32>,
          %get3A_503 = arith.constant 0 : i32
          %get3A_504 = arith.index_cast %get3A_503 : i32 to index
          %get3A_505 = arith.index_cast %scan3A_475 : i32 to index
          %get3A_506 = arith.constant 16 : index
          %get3A_507 = tpu.vector_load %arg13[%get3A_504, %get3A_505, %get3A_506] {strides = array<i32>} : memref<2x128x64xf32, #tpu.memory_space<vmem>>, vector<16xf32>,
          %add3A_508 = arith.addf %get3A_502, %get3A_507 : vector<16xf32>
          %get3A_509 = arith.constant 0 : i32
          %get3A_510 = arith.index_cast %get3A_509 : i32 to index
          %get3A_511 = arith.index_cast %scan3A_475 : i32 to index
          %get3A_512 = arith.constant 16 : index
          %get3A_513 = tpu.vector_load %arg14[%get3A_510, %get3A_511, %get3A_512] {strides = array<i32>} : memref<2x128x64xf32, #tpu.memory_space<vmem>>, vector<16xf32>,
          %add3A_514 = arith.addf %add3A_508, %get3A_513 : vector<16xf32>
          %add3A_515 = arith.constant 2 : i32
          %add3A_516 = vector.broadcast %add3A_515 : i32 to vector<16xi32>
          %add3A_517 = arith.addi %select_n3A, %add3A_516 : vector<16xi32>
          tpu.vector_store_idx %arg17[%add3A_517, %select_n3A_43, %add3A_478], %add3A_514 : memref<12x8x129xf32, #tpu.memory_space<vmem>>[vector<16xi32>, vector<16xi32>, vector<16xi32>], vector<16xf32>,
          %get3A_518 = arith.constant 0 : i32
          %get3A_519 = arith.index_cast %get3A_518 : i32 to index
          %get3A_520 = arith.index_cast %scan3A_475 : i32 to index
          %get3A_521 = arith.constant 32 : index
          %get3A_522 = tpu.vector_load %arg12[%get3A_519, %get3A_520, %get3A_521] {strides = array<i32>} : memref<2x128x64xf32, #tpu.memory_space<vmem>>, vector<16xf32>,
          %get3A_523 = arith.constant 0 : i32
          %get3A_524 = arith.index_cast %get3A_523 : i32 to index
          %get3A_525 = arith.index_cast %scan3A_475 : i32 to index
          %get3A_526 = arith.constant 32 : index
          %get3A_527 = tpu.vector_load %arg13[%get3A_524, %get3A_525, %get3A_526] {strides = array<i32>} : memref<2x128x64xf32, #tpu.memory_space<vmem>>, vector<16xf32>,
          %add3A_528 = arith.addf %get3A_522, %get3A_527 : vector<16xf32>
          %get3A_529 = arith.constant 0 : i32
          %get3A_530 = arith.index_cast %get3A_529 : i32 to index
          %get3A_531 = arith.index_cast %scan3A_475 : i32 to index
          %get3A_532 = arith.constant 32 : index
          %get3A_533 = tpu.vector_load %arg14[%get3A_530, %get3A_531, %get3A_532] {strides = array<i32>} : memref<2x128x64xf32, #tpu.memory_space<vmem>>, vector<16xf32>,
          %add3A_534 = arith.addf %add3A_528, %get3A_533 : vector<16xf32>
          %add3A_535 = arith.constant 4 : i32
          %add3A_536 = vector.broadcast %add3A_535 : i32 to vector<16xi32>
          %add3A_537 = arith.addi %select_n3A, %add3A_536 : vector<16xi32>
          tpu.vector_store_idx %arg17[%add3A_537, %select_n3A_43, %add3A_478], %add3A_534 : memref<12x8x129xf32, #tpu.memory_space<vmem>>[vector<16xi32>, vector<16xi32>, vector<16xi32>], vector<16xf32>,
          %get3A_538 = arith.constant 0 : i32
          %get3A_539 = arith.index_cast %get3A_538 : i32 to index
          %get3A_540 = arith.index_cast %scan3A_475 : i32 to index
          %get3A_541 = arith.constant 48 : index
          %get3A_542 = tpu.vector_load %arg12[%get3A_539, %get3A_540, %get3A_541] {strides = array<i32>} : memref<2x128x64xf32, #tpu.memory_space<vmem>>, vector<16xf32>,
          %get3A_543 = arith.constant 0 : i32
          %get3A_544 = arith.index_cast %get3A_543 : i32 to index
          %get3A_545 = arith.index_cast %scan3A_475 : i32 to index
          %get3A_546 = arith.constant 48 : index
          %get3A_547 = tpu.vector_load %arg13[%get3A_544, %get3A_545, %get3A_546] {strides = array<i32>} : memref<2x128x64xf32, #tpu.memory_space<vmem>>, vector<16xf32>,
          %add3A_548 = arith.addf %get3A_542, %get3A_547 : vector<16xf32>
          %get3A_549 = arith.constant 0 : i32
          %get3A_550 = arith.index_cast %get3A_549 : i32 to index
          %get3A_551 = arith.index_cast %scan3A_475 : i32 to index
          %get3A_552 = arith.constant 48 : index
          %get3A_553 = tpu.vector_load %arg14[%get3A_550, %get3A_551, %get3A_552] {strides = array<i32>} : memref<2x128x64xf32, #tpu.memory_space<vmem>>, vector<16xf32>,
          %add3A_554 = arith.addf %add3A_548, %get3A_553 : vector<16xf32>
          %add3A_555 = arith.constant 6 : i32
          %add3A_556 = vector.broadcast %add3A_555 : i32 to vector<16xi32>
          %add3A_557 = arith.addi %select_n3A, %add3A_556 : vector<16xi32>
          tpu.vector_store_idx %arg17[%add3A_557, %select_n3A_43, %add3A_478], %add3A_554 : memref<12x8x129xf32, #tpu.memory_space<vmem>>[vector<16xi32>, vector<16xi32>, vector<16xi32>], vector<16xf32>,
          %get3A_558 = arith.constant 0 : i32
          %get3A_559 = arith.index_cast %get3A_558 : i32 to index
          %get3A_560 = arith.index_cast %scan3A_475 : i32 to index
          %get3A_561 = arith.constant 0 : index
          %get3A_562 = tpu.vector_load %arg15[%get3A_559, %get3A_560, %get3A_561] {strides = array<i32>} : memref<2x128x32xf32, #tpu.memory_space<vmem>>, vector<16xf32>,
          %get3A_563 = arith.constant 0 : i32
          %get3A_564 = arith.index_cast %get3A_563 : i32 to index
          %get3A_565 = arith.index_cast %scan3A_475 : i32 to index
          %get3A_566 = arith.constant 0 : index
          %get3A_567 = tpu.vector_load %arg16[%get3A_564, %get3A_565, %get3A_566] {strides = array<i32>} : memref<2x128x32xf32, #tpu.memory_space<vmem>>, vector<16xf32>,
          %add3A_568 = arith.addf %get3A_562, %get3A_567 : vector<16xf32>
          %add3A_569 = arith.constant 8 : i32
          %add3A_570 = vector.broadcast %add3A_569 : i32 to vector<16xi32>
          %add3A_571 = arith.addi %select_n3A, %add3A_570 : vector<16xi32>
          tpu.vector_store_idx %arg17[%add3A_571, %select_n3A_43, %add3A_478], %add3A_568 : memref<12x8x129xf32, #tpu.memory_space<vmem>>[vector<16xi32>, vector<16xi32>, vector<16xi32>], vector<16xf32>,
          %get3A_572 = arith.constant 0 : i32
          %get3A_573 = arith.index_cast %get3A_572 : i32 to index
          %get3A_574 = arith.index_cast %scan3A_475 : i32 to index
          %get3A_575 = arith.constant 16 : index
          %get3A_576 = tpu.vector_load %arg15[%get3A_573, %get3A_574, %get3A_575] {strides = array<i32>} : memref<2x128x32xf32, #tpu.memory_space<vmem>>, vector<16xf32>,
          %get3A_577 = arith.constant 0 : i32
          %get3A_578 = arith.index_cast %get3A_577 : i32 to index
          %get3A_579 = arith.index_cast %scan3A_475 : i32 to index
          %get3A_580 = arith.constant 16 : index
          %get3A_581 = tpu.vector_load %arg16[%get3A_578, %get3A_579, %get3A_580] {strides = array<i32>} : memref<2x128x32xf32, #tpu.memory_space<vmem>>, vector<16xf32>,
          %add3A_582 = arith.addf %get3A_576, %get3A_581 : vector<16xf32>
          %add3A_583 = arith.constant 10 : i32
          %add3A_584 = vector.broadcast %add3A_583 : i32 to vector<16xi32>
          %add3A_585 = arith.addi %select_n3A, %add3A_584 : vector<16xi32>
          tpu.vector_store_idx %arg17[%add3A_585, %select_n3A_43, %add3A_478], %add3A_582 : memref<12x8x129xf32, #tpu.memory_space<vmem>>[vector<16xi32>, vector<16xi32>, vector<16xi32>], vector<16xf32>,
        }
        %scan3A_309 = arith.constant 128 : i32
        %mul3A_310 = arith.constant 20 : i32
        %mul3A_311 = arith.muli %add3A_91, %mul3A_310 : i32
        %add3A_312 = arith.addi %mul3A_311, %add3A_199 : i32
        %ge3A = arith.constant 2 : i32
        %ge3A_313 = arith.cmpi sge, %add3A_312, %ge3A : i32
        %convert_element_type3A_314 = arith.extui %ge3A_313 : i1 to i32
        %cond3A_315 = arith.constant 0 : i32
        %cond3A_316 = arith.cmpi ne, %convert_element_type3A_314, %cond3A_315 : i32
        scf.if %cond3A_316 {
          %dma_wait3A_475 = arith.constant 0 : i32
          %dma_wait3A_476 = arith.constant 0 : i32
          %dma_wait3A_477 = arith.constant 0 : i32
          %dma_wait3A_478 = tpu.memref_slice %arg17[%dma_wait3A_475, %dma_wait3A_476, %dma_wait3A_477] : memref<12x8x129xf32, #tpu.memory_space<vmem>> -> memref<12x8x128xf32, #tpu.memory_space<vmem>>
          %dma_wait3A_479 = arith.constant 0 : i32
          %dma_wait3A_480 = arith.constant 0 : i32
          %dma_wait3A_481 = arith.constant 0 : i32
          %dma_wait3A_482 = tpu.memref_slice %arg9[%add3A_199, %dma_wait3A_479, %select_n3A_120, %dma_wait3A_480, %dma_wait3A_481] : memref<20x12x128x8x128xf32, #tpu.memory_space<hbm>> -> memref<1x12x1x8x128xf32, #tpu.memory_space<hbm>>
          %dma_wait3A_483 = tpu.memref_squeeze %dma_wait3A_482 : memref<1x12x1x8x128xf32, #tpu.memory_space<hbm>> -> memref<12x8x128xf32, #tpu.memory_space<hbm>>
          %dma_wait3A_484 = arith.constant 0 : i32
          %dma_wait3A_485 = arith.constant 0 : i32
          %dma_wait3A_486 = arith.constant 0 : i32
          %dma_wait3A_487 = tpu.memref_slice %arg9[%add3A_199, %dma_wait3A_484, %select_n3A_120, %dma_wait3A_485, %dma_wait3A_486] : memref<20x12x128x8x128xf32, #tpu.memory_space<hbm>> -> memref<1x12x1x8x128xf32, #tpu.memory_space<hbm>>
          %dma_wait3A_488 = tpu.memref_squeeze %dma_wait3A_487 : memref<1x12x1x8x128xf32, #tpu.memory_space<hbm>> -> memref<12x8x128xf32, #tpu.memory_space<hbm>>
          %dma_wait3A_489 = arith.constant 0 : i32
          %dma_wait3A_490 = arith.constant 0 : i32
          %dma_wait3A_491 = arith.constant 0 : i32
          %dma_wait3A_492 = tpu.memref_slice %arg17[%dma_wait3A_489, %dma_wait3A_490, %dma_wait3A_491] : memref<12x8x129xf32, #tpu.memory_space<vmem>> -> memref<12x8x128xf32, #tpu.memory_space<vmem>>
          tpu.wait_dma2 semaphore(%arg21 : memref<!tpu.dma_semaphore, #tpu.memory_space<semaphore_mem>>) src(%dma_wait3A_492 : memref<12x8x128xf32, #tpu.memory_space<vmem>>) dst(%dma_wait3A_488 : memref<12x8x128xf32, #tpu.memory_space<hbm>>)
        } else {
        }
        %dma_start3A_317 = arith.constant 0 : i32
        %dma_start3A_318 = arith.constant 0 : i32
        %dma_start3A_319 = arith.constant 0 : i32
        %dma_start3A_320 = tpu.memref_slice %arg17[%dma_start3A_317, %dma_start3A_318, %dma_start3A_319] : memref<12x8x129xf32, #tpu.memory_space<vmem>> -> memref<12x8x128xf32, #tpu.memory_space<vmem>>
        %dma_start3A_321 = arith.constant 0 : i32
        %dma_start3A_322 = arith.constant 0 : i32
        %dma_start3A_323 = arith.constant 0 : i32
        %dma_start3A_324 = tpu.memref_slice %arg9[%add3A_199, %dma_start3A_321, %select_n3A_120, %dma_start3A_322, %dma_start3A_323] : memref<20x12x128x8x128xf32, #tpu.memory_space<hbm>> -> memref<1x12x1x8x128xf32, #tpu.memory_space<hbm>>
        %dma_start3A_325 = tpu.memref_squeeze %dma_start3A_324 : memref<1x12x1x8x128xf32, #tpu.memory_space<hbm>> -> memref<12x8x128xf32, #tpu.memory_space<hbm>>
        %dma_start3A_326 = arith.constant 0 : i32
        %dma_start3A_327 = arith.constant 0 : i32
        %dma_start3A_328 = arith.constant 0 : i32
        %dma_start3A_329 = tpu.memref_slice %arg9[%add3A_199, %dma_start3A_326, %select_n3A_120, %dma_start3A_327, %dma_start3A_328] : memref<20x12x128x8x128xf32, #tpu.memory_space<hbm>> -> memref<1x12x1x8x128xf32, #tpu.memory_space<hbm>>
        %dma_start3A_330 = tpu.memref_squeeze %dma_start3A_329 : memref<1x12x1x8x128xf32, #tpu.memory_space<hbm>> -> memref<12x8x128xf32, #tpu.memory_space<hbm>>
        %dma_start3A_331 = arith.constant 0 : i32
        %dma_start3A_332 = arith.constant 0 : i32
        %dma_start3A_333 = arith.constant 0 : i32
        %dma_start3A_334 = tpu.memref_slice %arg17[%dma_start3A_331, %dma_start3A_332, %dma_start3A_333] : memref<12x8x129xf32, #tpu.memory_space<vmem>> -> memref<12x8x128xf32, #tpu.memory_space<vmem>>
        tpu.enqueue_dma source(%dma_start3A_334 : memref<12x8x128xf32, #tpu.memory_space<vmem>>) target(%dma_start3A_330 : memref<12x8x128xf32, #tpu.memory_space<hbm>>) target_semaphore(%arg21 : memref<!tpu.dma_semaphore, #tpu.memory_space<semaphore_mem>>)
        %add3A_335 = arith.constant 1 : i32
        %add3A_336 = arith.addi %add3A_197, %add3A_335 : i32
        %add3A_337 = arith.constant 1 : i32
        %add3A_338 = arith.addi %add3A_336, %add3A_337 : i32
        %lt3A_339 = arith.constant 20 : i32
        %lt3A_340 = arith.cmpi slt, %add3A_338, %lt3A_339 : i32
        %convert_element_type3A_341 = arith.extui %lt3A_340 : i1 to i32
        %cond3A_342 = arith.constant 0 : i32
        %cond3A_343 = arith.cmpi ne, %convert_element_type3A_341, %cond3A_342 : i32
        scf.if %cond3A_343 {
          %jit3A_475 = arith.constant 8 : i32
          %div3A_476 = arith.divsi %add3A_338, %jit3A_475 : i32
          %sign3A_477 = arith.constant 0 : i32
          %sign3A_478 = arith.cmpi sgt, %add3A_338, %sign3A_477 : i32
          %sign3A_479 = arith.extui %sign3A_478 : i1 to i32
          %sign3A_480 = arith.constant 0 : i32
          %sign3A_481 = arith.cmpi slt, %add3A_338, %sign3A_480 : i32
          %sign3A_482 = arith.extui %sign3A_481 : i1 to i32
          %sign3A_483 = arith.subi %sign3A_479, %sign3A_482 : i32
          %sign3A_484 = arith.constant 0 : i32
          %sign3A_485 = arith.cmpi sgt, %jit3A_475, %sign3A_484 : i32
          %sign3A_486 = arith.extui %sign3A_485 : i1 to i32
          %sign3A_487 = arith.constant 0 : i32
          %sign3A_488 = arith.cmpi slt, %jit3A_475, %sign3A_487 : i32
          %sign3A_489 = arith.extui %sign3A_488 : i1 to i32
          %sign3A_490 = arith.subi %sign3A_486, %sign3A_489 : i32
          %ne3A_491 = arith.cmpi ne, %sign3A_483, %sign3A_490 : i32
          %rem3A_492 = arith.remsi %add3A_338, %jit3A_475 : i32
          %ne3A_493 = arith.constant 0 : i32
          %ne3A_494 = arith.cmpi ne, %rem3A_492, %ne3A_493 : i32
          %and3A_495 = arith.andi %ne3A_491, %ne3A_494 : i1
          %sub3A_496 = arith.constant 1 : i32
          %sub3A_497 = arith.subi %div3A_476, %sub3A_496 : i32
          %select_n3A_498 = arith.select %and3A_495, %sub3A_497, %div3A_476 : i32
          %jit3A_499 = arith.constant 8 : i32
          %eq3A_500 = arith.constant 0 : i32
          %eq3A_501 = arith.cmpi eq, %jit3A_499, %eq3A_500 : i32
          %jit3A_502 = arith.constant 1 : i32
          %select_n3A_503 = arith.select %eq3A_501, %jit3A_502, %jit3A_499 : i32
          %rem3A_504 = arith.remsi %add3A_338, %select_n3A_503 : i32
          %ne3A_505 = arith.constant 0 : i32
          %ne3A_506 = arith.cmpi ne, %rem3A_504, %ne3A_505 : i32
          %lt3A_507 = arith.constant 0 : i32
          %lt3A_508 = arith.cmpi slt, %rem3A_504, %lt3A_507 : i32
          %lt3A_509 = arith.constant 0 : i32
          %lt3A_510 = arith.cmpi slt, %select_n3A_503, %lt3A_509 : i32
          %ne3A_511 = arith.xori %lt3A_508, %lt3A_510 : i1
          %and3A_512 = arith.andi %ne3A_511, %ne3A_506 : i1
          %add3A_513 = arith.addi %rem3A_504, %select_n3A_503 : i32
          %select_n3A_514 = arith.select %and3A_512, %add3A_513, %rem3A_504 : i32
          %dma_start3A_515 = arith.constant 0 : i32
          %dma_start3A_516 = arith.constant 0 : i32
          %dma_start3A_517 = arith.constant 0 : i32
          %dma_start3A_518 = arith.constant 0 : i32
          %dma_start3A_519 = tpu.memref_slice %arg12[%dma_start3A_516, %dma_start3A_517, %dma_start3A_518] : memref<2x128x64xf32, #tpu.memory_space<vmem>> -> memref<1x128x64xf32, #tpu.memory_space<vmem>>
          %dma_start3A_520 = tpu.memref_squeeze %dma_start3A_519 : memref<1x128x64xf32, #tpu.memory_space<vmem>> -> memref<128x64xf32, #tpu.memory_space<vmem>>
          %dma_start3A_521 = arith.constant 0 : i32
          %dma_start3A_522 = tpu.memref_slice %arg10[%dma_start3A_515, %select_n3A_498, %select_n3A_514, %dma_start3A_521] : memref<3x3x8x128xi32, #tpu.memory_space<vmem>> -> memref<1x1x1x128xi32, #tpu.memory_space<vmem>>
          %dma_start3A_523 = tpu.memref_squeeze %dma_start3A_522 : memref<1x1x1x128xi32, #tpu.memory_space<vmem>> -> memref<128xi32, #tpu.memory_space<vmem>>
          %dma_start3A_524 = arith.constant 0 : i32
          %dma_start3A_525 = arith.constant 0 : i32
          %dma_start3A_526 = tpu.memref_slice %arg4[%dma_start3A_524, %dma_start3A_525] : memref<100000x64xf32, #tpu.memory_space<hbm>> -> memref<100000x64xf32, #tpu.memory_space<hbm>>
          tpu.enqueue_indirect_dma source(%dma_start3A_526 : memref<100000x64xf32, #tpu.memory_space<hbm>>) target(%dma_start3A_520 : memref<128x64xf32, #tpu.memory_space<vmem>>) offsets(%dma_start3A_523 : memref<128xi32, #tpu.memory_space<vmem>>) semaphore(%arg19 : memref<!tpu.dma_semaphore, #tpu.memory_space<semaphore_mem>>)
          %dma_start3A_527 = arith.constant 1 : i32
          %dma_start3A_528 = arith.constant 0 : i32
          %dma_start3A_529 = arith.constant 0 : i32
          %dma_start3A_530 = arith.constant 0 : i32
          %dma_start3A_531 = tpu.memref_slice %arg13[%dma_start3A_528, %dma_start3A_529, %dma_start3A_530] : memref<2x128x64xf32, #tpu.memory_space<vmem>> -> memref<1x128x64xf32, #tpu.memory_space<vmem>>
          %dma_start3A_532 = tpu.memref_squeeze %dma_start3A_531 : memref<1x128x64xf32, #tpu.memory_space<vmem>> -> memref<128x64xf32, #tpu.memory_space<vmem>>
          %dma_start3A_533 = arith.constant 0 : i32
          %dma_start3A_534 = tpu.memref_slice %arg10[%dma_start3A_527, %select_n3A_498, %select_n3A_514, %dma_start3A_533] : memref<3x3x8x128xi32, #tpu.memory_space<vmem>> -> memref<1x1x1x128xi32, #tpu.memory_space<vmem>>
          %dma_start3A_535 = tpu.memref_squeeze %dma_start3A_534 : memref<1x1x1x128xi32, #tpu.memory_space<vmem>> -> memref<128xi32, #tpu.memory_space<vmem>>
          %dma_start3A_536 = arith.constant 0 : i32
          %dma_start3A_537 = arith.constant 0 : i32
          %dma_start3A_538 = tpu.memref_slice %arg5[%dma_start3A_536, %dma_start3A_537] : memref<100000x64xf32, #tpu.memory_space<hbm>> -> memref<100000x64xf32, #tpu.memory_space<hbm>>
          tpu.enqueue_indirect_dma source(%dma_start3A_538 : memref<100000x64xf32, #tpu.memory_space<hbm>>) target(%dma_start3A_532 : memref<128x64xf32, #tpu.memory_space<vmem>>) offsets(%dma_start3A_535 : memref<128xi32, #tpu.memory_space<vmem>>) semaphore(%arg19 : memref<!tpu.dma_semaphore, #tpu.memory_space<semaphore_mem>>)
          %dma_start3A_539 = arith.constant 2 : i32
          %dma_start3A_540 = arith.constant 0 : i32
          %dma_start3A_541 = arith.constant 0 : i32
          %dma_start3A_542 = arith.constant 0 : i32
          %dma_start3A_543 = tpu.memref_slice %arg14[%dma_start3A_540, %dma_start3A_541, %dma_start3A_542] : memref<2x128x64xf32, #tpu.memory_space<vmem>> -> memref<1x128x64xf32, #tpu.memory_space<vmem>>
          %dma_start3A_544 = tpu.memref_squeeze %dma_start3A_543 : memref<1x128x64xf32, #tpu.memory_space<vmem>> -> memref<128x64xf32, #tpu.memory_space<vmem>>
          %dma_start3A_545 = arith.constant 0 : i32
          %dma_start3A_546 = tpu.memref_slice %arg10[%dma_start3A_539, %select_n3A_498, %select_n3A_514, %dma_start3A_545] : memref<3x3x8x128xi32, #tpu.memory_space<vmem>> -> memref<1x1x1x128xi32, #tpu.memory_space<vmem>>
          %dma_start3A_547 = tpu.memref_squeeze %dma_start3A_546 : memref<1x1x1x128xi32, #tpu.memory_space<vmem>> -> memref<128xi32, #tpu.memory_space<vmem>>
          %dma_start3A_548 = arith.constant 0 : i32
          %dma_start3A_549 = arith.constant 0 : i32
          %dma_start3A_550 = tpu.memref_slice %arg6[%dma_start3A_548, %dma_start3A_549] : memref<100000x64xf32, #tpu.memory_space<hbm>> -> memref<100000x64xf32, #tpu.memory_space<hbm>>
          tpu.enqueue_indirect_dma source(%dma_start3A_550 : memref<100000x64xf32, #tpu.memory_space<hbm>>) target(%dma_start3A_544 : memref<128x64xf32, #tpu.memory_space<vmem>>) offsets(%dma_start3A_547 : memref<128xi32, #tpu.memory_space<vmem>>) semaphore(%arg19 : memref<!tpu.dma_semaphore, #tpu.memory_space<semaphore_mem>>)
          %dma_start3A_551 = arith.constant 0 : i32
          %dma_start3A_552 = arith.constant 0 : i32
          %dma_start3A_553 = arith.constant 0 : i32
          %dma_start3A_554 = arith.constant 0 : i32
          %dma_start3A_555 = tpu.memref_slice %arg15[%dma_start3A_552, %dma_start3A_553, %dma_start3A_554] : memref<2x128x32xf32, #tpu.memory_space<vmem>> -> memref<1x128x32xf32, #tpu.memory_space<vmem>>
          %dma_start3A_556 = tpu.memref_squeeze %dma_start3A_555 : memref<1x128x32xf32, #tpu.memory_space<vmem>> -> memref<128x32xf32, #tpu.memory_space<vmem>>
          %dma_start3A_557 = arith.constant 0 : i32
          %dma_start3A_558 = tpu.memref_slice %arg11[%add3A_338, %dma_start3A_551, %dma_start3A_557] : memref<20x2x128xi32, #tpu.memory_space<vmem>> -> memref<1x1x128xi32, #tpu.memory_space<vmem>>
          %dma_start3A_559 = tpu.memref_squeeze %dma_start3A_558 : memref<1x1x128xi32, #tpu.memory_space<vmem>> -> memref<128xi32, #tpu.memory_space<vmem>>
          %dma_start3A_560 = arith.constant 0 : i32
          %dma_start3A_561 = arith.constant 0 : i32
          %dma_start3A_562 = tpu.memref_slice %arg7[%dma_start3A_560, %dma_start3A_561] : memref<1024x32xf32, #tpu.memory_space<hbm>> -> memref<1024x32xf32, #tpu.memory_space<hbm>>
          tpu.enqueue_indirect_dma source(%dma_start3A_562 : memref<1024x32xf32, #tpu.memory_space<hbm>>) target(%dma_start3A_556 : memref<128x32xf32, #tpu.memory_space<vmem>>) offsets(%dma_start3A_559 : memref<128xi32, #tpu.memory_space<vmem>>) semaphore(%arg19 : memref<!tpu.dma_semaphore, #tpu.memory_space<semaphore_mem>>)
          %dma_start3A_563 = arith.constant 1 : i32
          %dma_start3A_564 = arith.constant 0 : i32
          %dma_start3A_565 = arith.constant 0 : i32
          %dma_start3A_566 = arith.constant 0 : i32
          %dma_start3A_567 = tpu.memref_slice %arg16[%dma_start3A_564, %dma_start3A_565, %dma_start3A_566] : memref<2x128x32xf32, #tpu.memory_space<vmem>> -> memref<1x128x32xf32, #tpu.memory_space<vmem>>
          %dma_start3A_568 = tpu.memref_squeeze %dma_start3A_567 : memref<1x128x32xf32, #tpu.memory_space<vmem>> -> memref<128x32xf32, #tpu.memory_space<vmem>>
          %dma_start3A_569 = arith.constant 0 : i32
          %dma_start3A_570 = tpu.memref_slice %arg11[%add3A_338, %dma_start3A_563, %dma_start3A_569] : memref<20x2x128xi32, #tpu.memory_space<vmem>> -> memref<1x1x128xi32, #tpu.memory_space<vmem>>
          %dma_start3A_571 = tpu.memref_squeeze %dma_start3A_570 : memref<1x1x128xi32, #tpu.memory_space<vmem>> -> memref<128xi32, #tpu.memory_space<vmem>>
          %dma_start3A_572 = arith.constant 0 : i32
          %dma_start3A_573 = arith.constant 0 : i32
          %dma_start3A_574 = tpu.memref_slice %arg8[%dma_start3A_572, %dma_start3A_573] : memref<1024x32xf32, #tpu.memory_space<hbm>> -> memref<1024x32xf32, #tpu.memory_space<hbm>>
          tpu.enqueue_indirect_dma source(%dma_start3A_574 : memref<1024x32xf32, #tpu.memory_space<hbm>>) target(%dma_start3A_568 : memref<128x32xf32, #tpu.memory_space<vmem>>) offsets(%dma_start3A_571 : memref<128xi32, #tpu.memory_space<vmem>>) semaphore(%arg19 : memref<!tpu.dma_semaphore, #tpu.memory_space<semaphore_mem>>)
        } else {
        }
        %jit3A_344 = arith.constant 8 : i32
        %div3A_345 = arith.divsi %add3A_336, %jit3A_344 : i32
        %sign3A_346 = arith.constant 0 : i32
        %sign3A_347 = arith.cmpi sgt, %add3A_336, %sign3A_346 : i32
        %sign3A_348 = arith.extui %sign3A_347 : i1 to i32
        %sign3A_349 = arith.constant 0 : i32
        %sign3A_350 = arith.cmpi slt, %add3A_336, %sign3A_349 : i32
        %sign3A_351 = arith.extui %sign3A_350 : i1 to i32
        %sign3A_352 = arith.subi %sign3A_348, %sign3A_351 : i32
        %sign3A_353 = arith.constant 0 : i32
        %sign3A_354 = arith.cmpi sgt, %jit3A_344, %sign3A_353 : i32
        %sign3A_355 = arith.extui %sign3A_354 : i1 to i32
        %sign3A_356 = arith.constant 0 : i32
        %sign3A_357 = arith.cmpi slt, %jit3A_344, %sign3A_356 : i32
        %sign3A_358 = arith.extui %sign3A_357 : i1 to i32
        %sign3A_359 = arith.subi %sign3A_355, %sign3A_358 : i32
        %ne3A_360 = arith.cmpi ne, %sign3A_352, %sign3A_359 : i32
        %rem3A_361 = arith.remsi %add3A_336, %jit3A_344 : i32
        %ne3A_362 = arith.constant 0 : i32
        %ne3A_363 = arith.cmpi ne, %rem3A_361, %ne3A_362 : i32
        %and3A_364 = arith.andi %ne3A_360, %ne3A_363 : i1
        %sub3A_365 = arith.constant 1 : i32
        %sub3A_366 = arith.subi %div3A_345, %sub3A_365 : i32
        %select_n3A_367 = arith.select %and3A_364, %sub3A_366, %div3A_345 : i32
        %jit3A_368 = arith.constant 8 : i32
        %eq3A_369 = arith.constant 0 : i32
        %eq3A_370 = arith.cmpi eq, %jit3A_368, %eq3A_369 : i32
        %jit3A_371 = arith.constant 1 : i32
        %select_n3A_372 = arith.select %eq3A_370, %jit3A_371, %jit3A_368 : i32
        %rem3A_373 = arith.remsi %add3A_336, %select_n3A_372 : i32
        %ne3A_374 = arith.constant 0 : i32
        %ne3A_375 = arith.cmpi ne, %rem3A_373, %ne3A_374 : i32
        %lt3A_376 = arith.constant 0 : i32
        %lt3A_377 = arith.cmpi slt, %rem3A_373, %lt3A_376 : i32
        %lt3A_378 = arith.constant 0 : i32
        %lt3A_379 = arith.cmpi slt, %select_n3A_372, %lt3A_378 : i32
        %ne3A_380 = arith.xori %lt3A_377, %lt3A_379 : i1
        %and3A_381 = arith.andi %ne3A_380, %ne3A_375 : i1
        %add3A_382 = arith.addi %rem3A_373, %select_n3A_372 : i32
        %select_n3A_383 = arith.select %and3A_381, %add3A_382, %rem3A_373 : i32
        %dma_wait3A_384 = arith.constant 0 : i32
        %dma_wait3A_385 = arith.constant 1 : i32
        %dma_wait3A_386 = arith.constant 0 : i32
        %dma_wait3A_387 = arith.constant 0 : i32
        %dma_wait3A_388 = tpu.memref_slice %arg12[%dma_wait3A_385, %dma_wait3A_386, %dma_wait3A_387] : memref<2x128x64xf32, #tpu.memory_space<vmem>> -> memref<1x128x64xf32, #tpu.memory_space<vmem>>
        %dma_wait3A_389 = tpu.memref_squeeze %dma_wait3A_388 : memref<1x128x64xf32, #tpu.memory_space<vmem>> -> memref<128x64xf32, #tpu.memory_space<vmem>>
        %dma_wait3A_390 = arith.constant 0 : i32
        %dma_wait3A_391 = tpu.memref_slice %arg10[%dma_wait3A_384, %select_n3A_367, %select_n3A_383, %dma_wait3A_390] : memref<3x3x8x128xi32, #tpu.memory_space<vmem>> -> memref<1x1x1x128xi32, #tpu.memory_space<vmem>>
        %dma_wait3A_392 = tpu.memref_squeeze %dma_wait3A_391 : memref<1x1x1x128xi32, #tpu.memory_space<vmem>> -> memref<128xi32, #tpu.memory_space<vmem>>
        %dma_wait3A_393 = arith.constant 0 : i32
        %dma_wait3A_394 = arith.constant 0 : i32
        %dma_wait3A_395 = tpu.memref_slice %arg4[%dma_wait3A_393, %dma_wait3A_394] : memref<100000x64xf32, #tpu.memory_space<hbm>> -> memref<100000x64xf32, #tpu.memory_space<hbm>>
        tpu.wait_indirect_dma semaphore(%arg20 : memref<!tpu.dma_semaphore, #tpu.memory_space<semaphore_mem>>) src(%dma_wait3A_395 : memref<100000x64xf32, #tpu.memory_space<hbm>>) dst(%dma_wait3A_389 : memref<128x64xf32, #tpu.memory_space<vmem>>)
        %dma_wait3A_396 = arith.constant 1 : i32
        %dma_wait3A_397 = arith.constant 1 : i32
        %dma_wait3A_398 = arith.constant 0 : i32
        %dma_wait3A_399 = arith.constant 0 : i32
        %dma_wait3A_400 = tpu.memref_slice %arg13[%dma_wait3A_397, %dma_wait3A_398, %dma_wait3A_399] : memref<2x128x64xf32, #tpu.memory_space<vmem>> -> memref<1x128x64xf32, #tpu.memory_space<vmem>>
        %dma_wait3A_401 = tpu.memref_squeeze %dma_wait3A_400 : memref<1x128x64xf32, #tpu.memory_space<vmem>> -> memref<128x64xf32, #tpu.memory_space<vmem>>
        %dma_wait3A_402 = arith.constant 0 : i32
        %dma_wait3A_403 = tpu.memref_slice %arg10[%dma_wait3A_396, %select_n3A_367, %select_n3A_383, %dma_wait3A_402] : memref<3x3x8x128xi32, #tpu.memory_space<vmem>> -> memref<1x1x1x128xi32, #tpu.memory_space<vmem>>
        %dma_wait3A_404 = tpu.memref_squeeze %dma_wait3A_403 : memref<1x1x1x128xi32, #tpu.memory_space<vmem>> -> memref<128xi32, #tpu.memory_space<vmem>>
        %dma_wait3A_405 = arith.constant 0 : i32
        %dma_wait3A_406 = arith.constant 0 : i32
        %dma_wait3A_407 = tpu.memref_slice %arg5[%dma_wait3A_405, %dma_wait3A_406] : memref<100000x64xf32, #tpu.memory_space<hbm>> -> memref<100000x64xf32, #tpu.memory_space<hbm>>
        tpu.wait_indirect_dma semaphore(%arg20 : memref<!tpu.dma_semaphore, #tpu.memory_space<semaphore_mem>>) src(%dma_wait3A_407 : memref<100000x64xf32, #tpu.memory_space<hbm>>) dst(%dma_wait3A_401 : memref<128x64xf32, #tpu.memory_space<vmem>>)
        %dma_wait3A_408 = arith.constant 2 : i32
        %dma_wait3A_409 = arith.constant 1 : i32
        %dma_wait3A_410 = arith.constant 0 : i32
        %dma_wait3A_411 = arith.constant 0 : i32
        %dma_wait3A_412 = tpu.memref_slice %arg14[%dma_wait3A_409, %dma_wait3A_410, %dma_wait3A_411] : memref<2x128x64xf32, #tpu.memory_space<vmem>> -> memref<1x128x64xf32, #tpu.memory_space<vmem>>
        %dma_wait3A_413 = tpu.memref_squeeze %dma_wait3A_412 : memref<1x128x64xf32, #tpu.memory_space<vmem>> -> memref<128x64xf32, #tpu.memory_space<vmem>>
        %dma_wait3A_414 = arith.constant 0 : i32
        %dma_wait3A_415 = tpu.memref_slice %arg10[%dma_wait3A_408, %select_n3A_367, %select_n3A_383, %dma_wait3A_414] : memref<3x3x8x128xi32, #tpu.memory_space<vmem>> -> memref<1x1x1x128xi32, #tpu.memory_space<vmem>>
        %dma_wait3A_416 = tpu.memref_squeeze %dma_wait3A_415 : memref<1x1x1x128xi32, #tpu.memory_space<vmem>> -> memref<128xi32, #tpu.memory_space<vmem>>
        %dma_wait3A_417 = arith.constant 0 : i32
        %dma_wait3A_418 = arith.constant 0 : i32
        %dma_wait3A_419 = tpu.memref_slice %arg6[%dma_wait3A_417, %dma_wait3A_418] : memref<100000x64xf32, #tpu.memory_space<hbm>> -> memref<100000x64xf32, #tpu.memory_space<hbm>>
        tpu.wait_indirect_dma semaphore(%arg20 : memref<!tpu.dma_semaphore, #tpu.memory_space<semaphore_mem>>) src(%dma_wait3A_419 : memref<100000x64xf32, #tpu.memory_space<hbm>>) dst(%dma_wait3A_413 : memref<128x64xf32, #tpu.memory_space<vmem>>)
        %dma_wait3A_420 = arith.constant 0 : i32
        %dma_wait3A_421 = arith.constant 1 : i32
        %dma_wait3A_422 = arith.constant 0 : i32
        %dma_wait3A_423 = arith.constant 0 : i32
        %dma_wait3A_424 = tpu.memref_slice %arg15[%dma_wait3A_421, %dma_wait3A_422, %dma_wait3A_423] : memref<2x128x32xf32, #tpu.memory_space<vmem>> -> memref<1x128x32xf32, #tpu.memory_space<vmem>>
        %dma_wait3A_425 = tpu.memref_squeeze %dma_wait3A_424 : memref<1x128x32xf32, #tpu.memory_space<vmem>> -> memref<128x32xf32, #tpu.memory_space<vmem>>
        %dma_wait3A_426 = arith.constant 0 : i32
        %dma_wait3A_427 = tpu.memref_slice %arg11[%add3A_336, %dma_wait3A_420, %dma_wait3A_426] : memref<20x2x128xi32, #tpu.memory_space<vmem>> -> memref<1x1x128xi32, #tpu.memory_space<vmem>>
        %dma_wait3A_428 = tpu.memref_squeeze %dma_wait3A_427 : memref<1x1x128xi32, #tpu.memory_space<vmem>> -> memref<128xi32, #tpu.memory_space<vmem>>
        %dma_wait3A_429 = arith.constant 0 : i32
        %dma_wait3A_430 = arith.constant 0 : i32
        %dma_wait3A_431 = tpu.memref_slice %arg7[%dma_wait3A_429, %dma_wait3A_430] : memref<1024x32xf32, #tpu.memory_space<hbm>> -> memref<1024x32xf32, #tpu.memory_space<hbm>>
        tpu.wait_indirect_dma semaphore(%arg20 : memref<!tpu.dma_semaphore, #tpu.memory_space<semaphore_mem>>) src(%dma_wait3A_431 : memref<1024x32xf32, #tpu.memory_space<hbm>>) dst(%dma_wait3A_425 : memref<128x32xf32, #tpu.memory_space<vmem>>)
        %dma_wait3A_432 = arith.constant 1 : i32
        %dma_wait3A_433 = arith.constant 1 : i32
        %dma_wait3A_434 = arith.constant 0 : i32
        %dma_wait3A_435 = arith.constant 0 : i32
        %dma_wait3A_436 = tpu.memref_slice %arg16[%dma_wait3A_433, %dma_wait3A_434, %dma_wait3A_435] : memref<2x128x32xf32, #tpu.memory_space<vmem>> -> memref<1x128x32xf32, #tpu.memory_space<vmem>>
        %dma_wait3A_437 = tpu.memref_squeeze %dma_wait3A_436 : memref<1x128x32xf32, #tpu.memory_space<vmem>> -> memref<128x32xf32, #tpu.memory_space<vmem>>
        %dma_wait3A_438 = arith.constant 0 : i32
        %dma_wait3A_439 = tpu.memref_slice %arg11[%add3A_336, %dma_wait3A_432, %dma_wait3A_438] : memref<20x2x128xi32, #tpu.memory_space<vmem>> -> memref<1x1x128xi32, #tpu.memory_space<vmem>>
        %dma_wait3A_440 = tpu.memref_squeeze %dma_wait3A_439 : memref<1x1x128xi32, #tpu.memory_space<vmem>> -> memref<128xi32, #tpu.memory_space<vmem>>
        %dma_wait3A_441 = arith.constant 0 : i32
        %dma_wait3A_442 = arith.constant 0 : i32
        %dma_wait3A_443 = tpu.memref_slice %arg8[%dma_wait3A_441, %dma_wait3A_442] : memref<1024x32xf32, #tpu.memory_space<hbm>> -> memref<1024x32xf32, #tpu.memory_space<hbm>>
        tpu.wait_indirect_dma semaphore(%arg20 : memref<!tpu.dma_semaphore, #tpu.memory_space<semaphore_mem>>) src(%dma_wait3A_443 : memref<1024x32xf32, #tpu.memory_space<hbm>>) dst(%dma_wait3A_437 : memref<128x32xf32, #tpu.memory_space<vmem>>)
        %scan3A_444 = arith.constant 0 : i32
        %scan3A_445 = arith.constant 128 : i32
        %scan3A_446 = arith.addi %scan3A_444, %scan3A_445 : i32
        %scan3A_447 = arith.constant 1 : i32
        scf.for %scan3A_475 = %scan3A_444 to %scan3A_446 step %scan3A_447  : i32 {
          %broadcast_in_dim3A = arith.constant 0 : i32
          %broadcast_in_dim3A_476 = vector.broadcast %broadcast_in_dim3A : i32 to vector<16xi32>
          %add3A_477 = vector.broadcast %scan3A_475 : i32 to vector<16xi32>
          %add3A_478 = arith.addi %broadcast_in_dim3A_476, %add3A_477 : vector<16xi32>
          %get3A = arith.constant 1 : i32
          %get3A_479 = arith.index_cast %get3A : i32 to index
          %get3A_480 = arith.index_cast %scan3A_475 : i32 to index
          %get3A_481 = arith.constant 0 : index
          %get3A_482 = tpu.vector_load %arg12[%get3A_479, %get3A_480, %get3A_481] {strides = array<i32>} : memref<2x128x64xf32, #tpu.memory_space<vmem>>, vector<16xf32>,
          %get3A_483 = arith.constant 1 : i32
          %get3A_484 = arith.index_cast %get3A_483 : i32 to index
          %get3A_485 = arith.index_cast %scan3A_475 : i32 to index
          %get3A_486 = arith.constant 0 : index
          %get3A_487 = tpu.vector_load %arg13[%get3A_484, %get3A_485, %get3A_486] {strides = array<i32>} : memref<2x128x64xf32, #tpu.memory_space<vmem>>, vector<16xf32>,
          %add3A_488 = arith.addf %get3A_482, %get3A_487 : vector<16xf32>
          %get3A_489 = arith.constant 1 : i32
          %get3A_490 = arith.index_cast %get3A_489 : i32 to index
          %get3A_491 = arith.index_cast %scan3A_475 : i32 to index
          %get3A_492 = arith.constant 0 : index
          %get3A_493 = tpu.vector_load %arg14[%get3A_490, %get3A_491, %get3A_492] {strides = array<i32>} : memref<2x128x64xf32, #tpu.memory_space<vmem>>, vector<16xf32>,
          %add3A_494 = arith.addf %add3A_488, %get3A_493 : vector<16xf32>
          %add3A_495 = arith.constant 0 : i32
          %add3A_496 = vector.broadcast %add3A_495 : i32 to vector<16xi32>
          %add3A_497 = arith.addi %select_n3A, %add3A_496 : vector<16xi32>
          tpu.vector_store_idx %arg18[%add3A_497, %select_n3A_43, %add3A_478], %add3A_494 : memref<12x8x129xf32, #tpu.memory_space<vmem>>[vector<16xi32>, vector<16xi32>, vector<16xi32>], vector<16xf32>,
          %get3A_498 = arith.constant 1 : i32
          %get3A_499 = arith.index_cast %get3A_498 : i32 to index
          %get3A_500 = arith.index_cast %scan3A_475 : i32 to index
          %get3A_501 = arith.constant 16 : index
          %get3A_502 = tpu.vector_load %arg12[%get3A_499, %get3A_500, %get3A_501] {strides = array<i32>} : memref<2x128x64xf32, #tpu.memory_space<vmem>>, vector<16xf32>,
          %get3A_503 = arith.constant 1 : i32
          %get3A_504 = arith.index_cast %get3A_503 : i32 to index
          %get3A_505 = arith.index_cast %scan3A_475 : i32 to index
          %get3A_506 = arith.constant 16 : index
          %get3A_507 = tpu.vector_load %arg13[%get3A_504, %get3A_505, %get3A_506] {strides = array<i32>} : memref<2x128x64xf32, #tpu.memory_space<vmem>>, vector<16xf32>,
          %add3A_508 = arith.addf %get3A_502, %get3A_507 : vector<16xf32>
          %get3A_509 = arith.constant 1 : i32
          %get3A_510 = arith.index_cast %get3A_509 : i32 to index
          %get3A_511 = arith.index_cast %scan3A_475 : i32 to index
          %get3A_512 = arith.constant 16 : index
          %get3A_513 = tpu.vector_load %arg14[%get3A_510, %get3A_511, %get3A_512] {strides = array<i32>} : memref<2x128x64xf32, #tpu.memory_space<vmem>>, vector<16xf32>,
          %add3A_514 = arith.addf %add3A_508, %get3A_513 : vector<16xf32>
          %add3A_515 = arith.constant 2 : i32
          %add3A_516 = vector.broadcast %add3A_515 : i32 to vector<16xi32>
          %add3A_517 = arith.addi %select_n3A, %add3A_516 : vector<16xi32>
          tpu.vector_store_idx %arg18[%add3A_517, %select_n3A_43, %add3A_478], %add3A_514 : memref<12x8x129xf32, #tpu.memory_space<vmem>>[vector<16xi32>, vector<16xi32>, vector<16xi32>], vector<16xf32>,
          %get3A_518 = arith.constant 1 : i32
          %get3A_519 = arith.index_cast %get3A_518 : i32 to index
          %get3A_520 = arith.index_cast %scan3A_475 : i32 to index
          %get3A_521 = arith.constant 32 : index
          %get3A_522 = tpu.vector_load %arg12[%get3A_519, %get3A_520, %get3A_521] {strides = array<i32>} : memref<2x128x64xf32, #tpu.memory_space<vmem>>, vector<16xf32>,
          %get3A_523 = arith.constant 1 : i32
          %get3A_524 = arith.index_cast %get3A_523 : i32 to index
          %get3A_525 = arith.index_cast %scan3A_475 : i32 to index
          %get3A_526 = arith.constant 32 : index
          %get3A_527 = tpu.vector_load %arg13[%get3A_524, %get3A_525, %get3A_526] {strides = array<i32>} : memref<2x128x64xf32, #tpu.memory_space<vmem>>, vector<16xf32>,
          %add3A_528 = arith.addf %get3A_522, %get3A_527 : vector<16xf32>
          %get3A_529 = arith.constant 1 : i32
          %get3A_530 = arith.index_cast %get3A_529 : i32 to index
          %get3A_531 = arith.index_cast %scan3A_475 : i32 to index
          %get3A_532 = arith.constant 32 : index
          %get3A_533 = tpu.vector_load %arg14[%get3A_530, %get3A_531, %get3A_532] {strides = array<i32>} : memref<2x128x64xf32, #tpu.memory_space<vmem>>, vector<16xf32>,
          %add3A_534 = arith.addf %add3A_528, %get3A_533 : vector<16xf32>
          %add3A_535 = arith.constant 4 : i32
          %add3A_536 = vector.broadcast %add3A_535 : i32 to vector<16xi32>
          %add3A_537 = arith.addi %select_n3A, %add3A_536 : vector<16xi32>
          tpu.vector_store_idx %arg18[%add3A_537, %select_n3A_43, %add3A_478], %add3A_534 : memref<12x8x129xf32, #tpu.memory_space<vmem>>[vector<16xi32>, vector<16xi32>, vector<16xi32>], vector<16xf32>,
          %get3A_538 = arith.constant 1 : i32
          %get3A_539 = arith.index_cast %get3A_538 : i32 to index
          %get3A_540 = arith.index_cast %scan3A_475 : i32 to index
          %get3A_541 = arith.constant 48 : index
          %get3A_542 = tpu.vector_load %arg12[%get3A_539, %get3A_540, %get3A_541] {strides = array<i32>} : memref<2x128x64xf32, #tpu.memory_space<vmem>>, vector<16xf32>,
          %get3A_543 = arith.constant 1 : i32
          %get3A_544 = arith.index_cast %get3A_543 : i32 to index
          %get3A_545 = arith.index_cast %scan3A_475 : i32 to index
          %get3A_546 = arith.constant 48 : index
          %get3A_547 = tpu.vector_load %arg13[%get3A_544, %get3A_545, %get3A_546] {strides = array<i32>} : memref<2x128x64xf32, #tpu.memory_space<vmem>>, vector<16xf32>,
          %add3A_548 = arith.addf %get3A_542, %get3A_547 : vector<16xf32>
          %get3A_549 = arith.constant 1 : i32
          %get3A_550 = arith.index_cast %get3A_549 : i32 to index
          %get3A_551 = arith.index_cast %scan3A_475 : i32 to index
          %get3A_552 = arith.constant 48 : index
          %get3A_553 = tpu.vector_load %arg14[%get3A_550, %get3A_551, %get3A_552] {strides = array<i32>} : memref<2x128x64xf32, #tpu.memory_space<vmem>>, vector<16xf32>,
          %add3A_554 = arith.addf %add3A_548, %get3A_553 : vector<16xf32>
          %add3A_555 = arith.constant 6 : i32
          %add3A_556 = vector.broadcast %add3A_555 : i32 to vector<16xi32>
          %add3A_557 = arith.addi %select_n3A, %add3A_556 : vector<16xi32>
          tpu.vector_store_idx %arg18[%add3A_557, %select_n3A_43, %add3A_478], %add3A_554 : memref<12x8x129xf32, #tpu.memory_space<vmem>>[vector<16xi32>, vector<16xi32>, vector<16xi32>], vector<16xf32>,
          %get3A_558 = arith.constant 1 : i32
          %get3A_559 = arith.index_cast %get3A_558 : i32 to index
          %get3A_560 = arith.index_cast %scan3A_475 : i32 to index
          %get3A_561 = arith.constant 0 : index
          %get3A_562 = tpu.vector_load %arg15[%get3A_559, %get3A_560, %get3A_561] {strides = array<i32>} : memref<2x128x32xf32, #tpu.memory_space<vmem>>, vector<16xf32>,
          %get3A_563 = arith.constant 1 : i32
          %get3A_564 = arith.index_cast %get3A_563 : i32 to index
          %get3A_565 = arith.index_cast %scan3A_475 : i32 to index
          %get3A_566 = arith.constant 0 : index
          %get3A_567 = tpu.vector_load %arg16[%get3A_564, %get3A_565, %get3A_566] {strides = array<i32>} : memref<2x128x32xf32, #tpu.memory_space<vmem>>, vector<16xf32>,
          %add3A_568 = arith.addf %get3A_562, %get3A_567 : vector<16xf32>
          %add3A_569 = arith.constant 8 : i32
          %add3A_570 = vector.broadcast %add3A_569 : i32 to vector<16xi32>
          %add3A_571 = arith.addi %select_n3A, %add3A_570 : vector<16xi32>
          tpu.vector_store_idx %arg18[%add3A_571, %select_n3A_43, %add3A_478], %add3A_568 : memref<12x8x129xf32, #tpu.memory_space<vmem>>[vector<16xi32>, vector<16xi32>, vector<16xi32>], vector<16xf32>,
          %get3A_572 = arith.constant 1 : i32
          %get3A_573 = arith.index_cast %get3A_572 : i32 to index
          %get3A_574 = arith.index_cast %scan3A_475 : i32 to index
          %get3A_575 = arith.constant 16 : index
          %get3A_576 = tpu.vector_load %arg15[%get3A_573, %get3A_574, %get3A_575] {strides = array<i32>} : memref<2x128x32xf32, #tpu.memory_space<vmem>>, vector<16xf32>,
          %get3A_577 = arith.constant 1 : i32
          %get3A_578 = arith.index_cast %get3A_577 : i32 to index
          %get3A_579 = arith.index_cast %scan3A_475 : i32 to index
          %get3A_580 = arith.constant 16 : index
          %get3A_581 = tpu.vector_load %arg16[%get3A_578, %get3A_579, %get3A_580] {strides = array<i32>} : memref<2x128x32xf32, #tpu.memory_space<vmem>>, vector<16xf32>,
          %add3A_582 = arith.addf %get3A_576, %get3A_581 : vector<16xf32>
          %add3A_583 = arith.constant 10 : i32
          %add3A_584 = vector.broadcast %add3A_583 : i32 to vector<16xi32>
          %add3A_585 = arith.addi %select_n3A, %add3A_584 : vector<16xi32>
          tpu.vector_store_idx %arg18[%add3A_585, %select_n3A_43, %add3A_478], %add3A_582 : memref<12x8x129xf32, #tpu.memory_space<vmem>>[vector<16xi32>, vector<16xi32>, vector<16xi32>], vector<16xf32>,
        }
        %scan3A_448 = arith.constant 128 : i32
        %mul3A_449 = arith.constant 20 : i32
        %mul3A_450 = arith.muli %add3A_91, %mul3A_449 : i32
        %add3A_451 = arith.addi %mul3A_450, %add3A_336 : i32
        %ge3A_452 = arith.constant 2 : i32
        %ge3A_453 = arith.cmpi sge, %add3A_451, %ge3A_452 : i32
        %convert_element_type3A_454 = arith.extui %ge3A_453 : i1 to i32
        %cond3A_455 = arith.constant 0 : i32
        %cond3A_456 = arith.cmpi ne, %convert_element_type3A_454, %cond3A_455 : i32
        scf.if %cond3A_456 {
          %dma_wait3A_475 = arith.constant 0 : i32
          %dma_wait3A_476 = arith.constant 0 : i32
          %dma_wait3A_477 = arith.constant 0 : i32
          %dma_wait3A_478 = tpu.memref_slice %arg18[%dma_wait3A_475, %dma_wait3A_476, %dma_wait3A_477] : memref<12x8x129xf32, #tpu.memory_space<vmem>> -> memref<12x8x128xf32, #tpu.memory_space<vmem>>
          %dma_wait3A_479 = arith.constant 0 : i32
          %dma_wait3A_480 = arith.constant 0 : i32
          %dma_wait3A_481 = arith.constant 0 : i32
          %dma_wait3A_482 = tpu.memref_slice %arg9[%add3A_336, %dma_wait3A_479, %select_n3A_120, %dma_wait3A_480, %dma_wait3A_481] : memref<20x12x128x8x128xf32, #tpu.memory_space<hbm>> -> memref<1x12x1x8x128xf32, #tpu.memory_space<hbm>>
          %dma_wait3A_483 = tpu.memref_squeeze %dma_wait3A_482 : memref<1x12x1x8x128xf32, #tpu.memory_space<hbm>> -> memref<12x8x128xf32, #tpu.memory_space<hbm>>
          %dma_wait3A_484 = arith.constant 0 : i32
          %dma_wait3A_485 = arith.constant 0 : i32
          %dma_wait3A_486 = arith.constant 0 : i32
          %dma_wait3A_487 = tpu.memref_slice %arg9[%add3A_336, %dma_wait3A_484, %select_n3A_120, %dma_wait3A_485, %dma_wait3A_486] : memref<20x12x128x8x128xf32, #tpu.memory_space<hbm>> -> memref<1x12x1x8x128xf32, #tpu.memory_space<hbm>>
          %dma_wait3A_488 = tpu.memref_squeeze %dma_wait3A_487 : memref<1x12x1x8x128xf32, #tpu.memory_space<hbm>> -> memref<12x8x128xf32, #tpu.memory_space<hbm>>
          %dma_wait3A_489 = arith.constant 0 : i32
          %dma_wait3A_490 = arith.constant 0 : i32
          %dma_wait3A_491 = arith.constant 0 : i32
          %dma_wait3A_492 = tpu.memref_slice %arg18[%dma_wait3A_489, %dma_wait3A_490, %dma_wait3A_491] : memref<12x8x129xf32, #tpu.memory_space<vmem>> -> memref<12x8x128xf32, #tpu.memory_space<vmem>>
          tpu.wait_dma2 semaphore(%arg22 : memref<!tpu.dma_semaphore, #tpu.memory_space<semaphore_mem>>) src(%dma_wait3A_492 : memref<12x8x128xf32, #tpu.memory_space<vmem>>) dst(%dma_wait3A_488 : memref<12x8x128xf32, #tpu.memory_space<hbm>>)
        } else {
        }
        %dma_start3A_457 = arith.constant 0 : i32
        %dma_start3A_458 = arith.constant 0 : i32
        %dma_start3A_459 = arith.constant 0 : i32
        %dma_start3A_460 = tpu.memref_slice %arg18[%dma_start3A_457, %dma_start3A_458, %dma_start3A_459] : memref<12x8x129xf32, #tpu.memory_space<vmem>> -> memref<12x8x128xf32, #tpu.memory_space<vmem>>
        %dma_start3A_461 = arith.constant 0 : i32
        %dma_start3A_462 = arith.constant 0 : i32
        %dma_start3A_463 = arith.constant 0 : i32
        %dma_start3A_464 = tpu.memref_slice %arg9[%add3A_336, %dma_start3A_461, %select_n3A_120, %dma_start3A_462, %dma_start3A_463] : memref<20x12x128x8x128xf32, #tpu.memory_space<hbm>> -> memref<1x12x1x8x128xf32, #tpu.memory_space<hbm>>
        %dma_start3A_465 = tpu.memref_squeeze %dma_start3A_464 : memref<1x12x1x8x128xf32, #tpu.memory_space<hbm>> -> memref<12x8x128xf32, #tpu.memory_space<hbm>>
        %dma_start3A_466 = arith.constant 0 : i32
        %dma_start3A_467 = arith.constant 0 : i32
        %dma_start3A_468 = arith.constant 0 : i32
        %dma_start3A_469 = tpu.memref_slice %arg9[%add3A_336, %dma_start3A_466, %select_n3A_120, %dma_start3A_467, %dma_start3A_468] : memref<20x12x128x8x128xf32, #tpu.memory_space<hbm>> -> memref<1x12x1x8x128xf32, #tpu.memory_space<hbm>>
        %dma_start3A_470 = tpu.memref_squeeze %dma_start3A_469 : memref<1x12x1x8x128xf32, #tpu.memory_space<hbm>> -> memref<12x8x128xf32, #tpu.memory_space<hbm>>
        %dma_start3A_471 = arith.constant 0 : i32
        %dma_start3A_472 = arith.constant 0 : i32
        %dma_start3A_473 = arith.constant 0 : i32
        %dma_start3A_474 = tpu.memref_slice %arg18[%dma_start3A_471, %dma_start3A_472, %dma_start3A_473] : memref<12x8x129xf32, #tpu.memory_space<vmem>> -> memref<12x8x128xf32, #tpu.memory_space<vmem>>
        tpu.enqueue_dma source(%dma_start3A_474 : memref<12x8x128xf32, #tpu.memory_space<vmem>>) target(%dma_start3A_470 : memref<12x8x128xf32, #tpu.memory_space<hbm>>) target_semaphore(%arg22 : memref<!tpu.dma_semaphore, #tpu.memory_space<semaphore_mem>>)
      }
      %scan3A_192 = arith.constant 10 : i32
    }
    %scan3A_47 = arith.constant 4 : i32
    %dma_wait3A = arith.constant 0 : i32
    %dma_wait3A_48 = arith.constant 0 : i32
    %dma_wait3A_49 = arith.constant 0 : i32
    %dma_wait3A_50 = arith.constant 0 : i32
    %dma_wait3A_51 = arith.constant 0 : i32
    %dma_wait3A_52 = tpu.memref_slice %arg17[%dma_wait3A_49, %dma_wait3A_50, %dma_wait3A_51] : memref<12x8x129xf32, #tpu.memory_space<vmem>> -> memref<12x8x128xf32, #tpu.memory_space<vmem>>
    %dma_wait3A_53 = arith.constant 0 : i32
    %dma_wait3A_54 = arith.constant 0 : i32
    %dma_wait3A_55 = arith.constant 0 : i32
    %dma_wait3A_56 = tpu.memref_slice %arg9[%dma_wait3A, %dma_wait3A_53, %dma_wait3A_48, %dma_wait3A_54, %dma_wait3A_55] : memref<20x12x128x8x128xf32, #tpu.memory_space<hbm>> -> memref<1x12x1x8x128xf32, #tpu.memory_space<hbm>>
    %dma_wait3A_57 = tpu.memref_squeeze %dma_wait3A_56 : memref<1x12x1x8x128xf32, #tpu.memory_space<hbm>> -> memref<12x8x128xf32, #tpu.memory_space<hbm>>
    %dma_wait3A_58 = arith.constant 0 : i32
    %dma_wait3A_59 = arith.constant 0 : i32
    %dma_wait3A_60 = arith.constant 0 : i32
    %dma_wait3A_61 = tpu.memref_slice %arg9[%dma_wait3A, %dma_wait3A_58, %dma_wait3A_48, %dma_wait3A_59, %dma_wait3A_60] : memref<20x12x128x8x128xf32, #tpu.memory_space<hbm>> -> memref<1x12x1x8x128xf32, #tpu.memory_space<hbm>>
    %dma_wait3A_62 = tpu.memref_squeeze %dma_wait3A_61 : memref<1x12x1x8x128xf32, #tpu.memory_space<hbm>> -> memref<12x8x128xf32, #tpu.memory_space<hbm>>
    %dma_wait3A_63 = arith.constant 0 : i32
    %dma_wait3A_64 = arith.constant 0 : i32
    %dma_wait3A_65 = arith.constant 0 : i32
    %dma_wait3A_66 = tpu.memref_slice %arg17[%dma_wait3A_63, %dma_wait3A_64, %dma_wait3A_65] : memref<12x8x129xf32, #tpu.memory_space<vmem>> -> memref<12x8x128xf32, #tpu.memory_space<vmem>>
    tpu.wait_dma2 semaphore(%arg21 : memref<!tpu.dma_semaphore, #tpu.memory_space<semaphore_mem>>) src(%dma_wait3A_66 : memref<12x8x128xf32, #tpu.memory_space<vmem>>) dst(%dma_wait3A_62 : memref<12x8x128xf32, #tpu.memory_space<hbm>>)
    %dma_wait3A_67 = arith.constant 0 : i32
    %dma_wait3A_68 = arith.constant 0 : i32
    %dma_wait3A_69 = arith.constant 0 : i32
    %dma_wait3A_70 = arith.constant 0 : i32
    %dma_wait3A_71 = arith.constant 0 : i32
    %dma_wait3A_72 = tpu.memref_slice %arg18[%dma_wait3A_69, %dma_wait3A_70, %dma_wait3A_71] : memref<12x8x129xf32, #tpu.memory_space<vmem>> -> memref<12x8x128xf32, #tpu.memory_space<vmem>>
    %dma_wait3A_73 = arith.constant 0 : i32
    %dma_wait3A_74 = arith.constant 0 : i32
    %dma_wait3A_75 = arith.constant 0 : i32
    %dma_wait3A_76 = tpu.memref_slice %arg9[%dma_wait3A_67, %dma_wait3A_73, %dma_wait3A_68, %dma_wait3A_74, %dma_wait3A_75] : memref<20x12x128x8x128xf32, #tpu.memory_space<hbm>> -> memref<1x12x1x8x128xf32, #tpu.memory_space<hbm>>
    %dma_wait3A_77 = tpu.memref_squeeze %dma_wait3A_76 : memref<1x12x1x8x128xf32, #tpu.memory_space<hbm>> -> memref<12x8x128xf32, #tpu.memory_space<hbm>>
    %dma_wait3A_78 = arith.constant 0 : i32
    %dma_wait3A_79 = arith.constant 0 : i32
    %dma_wait3A_80 = arith.constant 0 : i32
    %dma_wait3A_81 = tpu.memref_slice %arg9[%dma_wait3A_67, %dma_wait3A_78, %dma_wait3A_68, %dma_wait3A_79, %dma_wait3A_80] : memref<20x12x128x8x128xf32, #tpu.memory_space<hbm>> -> memref<1x12x1x8x128xf32, #tpu.memory_space<hbm>>
    %dma_wait3A_82 = tpu.memref_squeeze %dma_wait3A_81 : memref<1x12x1x8x128xf32, #tpu.memory_space<hbm>> -> memref<12x8x128xf32, #tpu.memory_space<hbm>>
    %dma_wait3A_83 = arith.constant 0 : i32
    %dma_wait3A_84 = arith.constant 0 : i32
    %dma_wait3A_85 = arith.constant 0 : i32
    %dma_wait3A_86 = tpu.memref_slice %arg18[%dma_wait3A_83, %dma_wait3A_84, %dma_wait3A_85] : memref<12x8x129xf32, #tpu.memory_space<vmem>> -> memref<12x8x128xf32, #tpu.memory_space<vmem>>
    tpu.wait_dma2 semaphore(%arg22 : memref<!tpu.dma_semaphore, #tpu.memory_space<semaphore_mem>>) src(%dma_wait3A_86 : memref<12x8x128xf32, #tpu.memory_space<vmem>>) dst(%dma_wait3A_82 : memref<12x8x128xf32, #tpu.memory_space<hbm>>)
    return
  }
}

</mosaic_0001>

<sc_bundles>
// kernel: kernel.3.cloned.1.call-start
scs
__scs_entry_jumppad:
0x0: {  	(pc) =	sbr.rel $0x88, $3  }
0x1: {  	(tag) =	ssettag $0x0;
	lr =	simm.s32 $0x1  }
0x2: {  	[smem:$0x3F9A] =	sst lr;
	_ =	strace $0xD0000000  }
0x3: {  	_ = 	snop  }
0x4: {  	_ = 	snop  }
0x5: {  	_ = 	snop  }
0x6: {  	_ = 	snop  }
0x7: {  	_ = 	snop  }
__scs_overlays_trampoline_lowered:
0x8: {  	[smem:$0x3FA9] =	sst s0  }
0x9: {  	[smem:$0x3FAA] =	sst s1  }
0xa: {  	[smem:$0x3FAB] =	sst s2  }
0xb: {  	[smem:$0x3FAC] =	sst s3  }
0xc: {  	[smem:$0x3FAD] =	sst s4  }
0xd: {  	[smem:$0x3FAE] =	sst s5  }
0xe: {  	[smem:$0x3FAF] =	sst s6  }
0xf: {  	[smem:$0x3FB0] =	sst s7  }
0x10: {  	[smem:$0x3FB1] =	sst s8  }
0x11: {  	[smem:$0x3FB2] =	sst s9;
	s0 =	simm.s32 @!p0 $0x0  }
0x12: {  	s1 =	sld [smem:$0x3F98];
	s0 =	simm.s32 @p0 $0x1  }
0x13: {  	[smem:$0x3FB3] =	sst s0;
	s0 =	simm.s32 @!p1 $0x0  }
0x14: {  	s2 =	sld [smem:$0x3F97];
	s0 =	simm.s32 @p1 $0x1  }
0x15: {  	[smem:$0x3FB4] =	sst s0;
	s0 =	simm.s32 @!p2 $0x0  }
0x16: {  	s3 =	sld [smem:$0x3FDB];
	s0 =	simm.s32 @p2 $0x1  }
0x17: {  	s4 =	simm.s32 $0x1BF5;
	[smem:$0x3FB6] =	sst s0  }
0x18: {  	s0 =	sld [smem:$0x3F99];
	_ =	swait.ge [sflag:s4], $0x0  }
0x19: {  	s7 =	sld [smem:$0x3F9A]  }
0x1a: {  	s8 =	sadd.s32 $0xFFFFE003, lr  }
0x1b: {  	s9 =	sadd.s32 $0xFFFFFEF7, lr;
	s5 =	simm.s32 $0xFFFFFFFF;
	p2 =	slt.u32 s8, $0xFFFFF086  }
0x1c: {  	p1 =	slt.u32 s9, $0xF7A;
	s5 =	simm.s32 @!p2 $0x0  }
0x1d: {  	s5 =	simm.s32 @p1 $0x1;
	p0 =	seq.s32 s7, s2  }
0x1e: {  	s7 =	smul.u32 @!p0 $0xF7A, s2;
	p2 =	seq.s32 @!p0 s5, $0x0  }
0x1f: {  	s9 =	smul.u32 $0xF7A, s1;
	s8 =	simm.s32 @!p0 $0x1BF5;
	p2 =	por !p2, p0  }
0x20: {  	[sflag:s8] =	ssyncset.s32 @!p0 $0xFFFFF086;
	s6 =	sadd.s32 @!p0 s3, s7;
	s7 =	simm.s32 @!p0 $0x108  }
0x21: {  	s3 =	sadd.s32 s3, s9;
	s6 =	sadd.s32 @!p0 $0x88, s6;
	s7 =	simm.s32 @p2 $0x1082  }
0x22: {  	[simem:s7], [sflag:s8] =	dma.local @!p0 [hbm:s6], $0xF7A  }
0x23: {  	s9 =	sor.u32 $0xD0000000, s2;
	s6 =	simm.s32 $0x108;
	_ =	swait.ge @!p0 [sflag:s8], $0x0  }
0x24: {  	s3 =	sadd.s32 $0x88, s3;
	s6 =	simm.s32 @!p1 $0x1082;
	[sflag:s4] =	ssyncset.s32 $0xFFFFF086  }
0x25: {  	[simem:s6], [sflag:s4] =	dma.local [hbm:s3], $0xF7A  }
0x26: {  	[smem:$0x3F9A] =	sst s1;
	(tag) =	ssettag s2;
	_ =	strace s9  }
0x27: {  	s1 =	sld [smem:$0x3FAA]  }
0x28: {  	s2 =	sld [smem:$0x3FAB]  }
0x29: {  	s4 =	sld [smem:$0x3FAD]  }
0x2a: {  	p0 =	seq.s32 s5, $0x0;
	s5 =	sld [smem:$0x3FAE]  }
0x2b: {  	s6 =	sld [smem:$0x3FAF]  }
0x2c: {  	s7 =	sld [smem:$0x3FB0]  }
0x2d: {  	s3 =	simm.s32 $0x108;
	s8 =	sld [smem:$0x3FB1]  }
0x2e: {  	s3 =	simm.s32 @!p0 $0x1082;
	s9 =	sld [smem:$0x3FB2]  }
0x2f: {  	lr =	sadd.s32 s0, s3;
	s0 =	sld [smem:$0x3FA9]  }
0x30: {  	s3 =	sld [smem:$0x3FAC]  }
0x31: {  	[smem:$0x3FB5] =	sst s10  }
0x32: {  	s10 =	sld [smem:$0x3FB3];
	_ =	sdelay $0x3  }
0x33: {  	p0 =	seq.s32 s10, $0x1;
	s10 =	sld [smem:$0x3FB5];
	_ =	sdelay $0x3  }
0x34: {  	[smem:$0x3FB5] =	sst s10  }
0x35: {  	s10 =	sld [smem:$0x3FB4];
	_ =	sdelay $0x3  }
0x36: {  	p1 =	seq.s32 s10, $0x1;
	s10 =	sld [smem:$0x3FB5];
	_ =	sdelay $0x3  }
0x37: {  	[smem:$0x3FB5] =	sst s10  }
0x38: {  	s10 =	sld [smem:$0x3FB6]  }
0x39: {  	_ = 	snop;
	(pc) =	sbr.ind lr, $3  }
0x3a: {  	_ = 	snop  }
0x3b: {  	_ = 	snop  }
0x3c: {  	p2 =	seq.s32 s10, $0x1;
	s10 =	sld [smem:$0x3FB5]  }
0x3d: {  	_ =	shalt  }
0x3e: {  	_ =	shalt  }
0x3f: {  	_ =	shalt  }
0x40: {  	_ =	shalt  }
0x41: {  	_ =	shalt  }
0x42: {  	_ =	shalt  }
0x43: {  	_ =	shalt  }
0x44: {  	_ =	shalt  }
0x45: {  	_ =	shalt  }
0x46: {  	_ =	shalt  }
0x47: {  	_ =	shalt  }
0x48: {  	_ =	shalt  }
0x49: {  	_ =	shalt  }
0x4a: {  	_ =	shalt  }
0x4b: {  	_ =	shalt  }
0x4c: {  	_ =	shalt  }
0x4d: {  	_ =	shalt  }
0x4e: {  	_ =	shalt  }
0x4f: {  	_ =	shalt  }
0x50: {  	_ =	shalt  }
0x51: {  	_ =	shalt  }
0x52: {  	_ =	shalt  }
0x53: {  	_ =	shalt  }
0x54: {  	_ =	shalt  }
0x55: {  	_ =	shalt  }
0x56: {  	_ =	shalt  }
0x57: {  	_ =	shalt  }
0x58: {  	_ =	shalt  }
0x59: {  	_ =	shalt  }
0x5a: {  	_ =	shalt  }
0x5b: {  	_ =	shalt  }
0x5c: {  	_ =	shalt  }
0x5d: {  	_ =	shalt  }
0x5e: {  	_ =	shalt  }
0x5f: {  	_ =	shalt  }
0x60: {  	_ =	shalt  }
0x61: {  	_ =	shalt  }
0x62: {  	_ =	shalt  }
0x63: {  	_ =	shalt  }
0x64: {  	_ =	shalt  }
0x65: {  	_ =	shalt  }
0x66: {  	_ =	shalt  }
0x67: {  	_ =	shalt  }
0x68: {  	_ =	shalt  }
0x69: {  	_ =	shalt  }
0x6a: {  	_ =	shalt  }
0x6b: {  	_ =	shalt  }
0x6c: {  	_ =	shalt  }
0x6d: {  	_ =	shalt  }
0x6e: {  	_ =	shalt  }
0x6f: {  	_ =	shalt  }
0x70: {  	_ =	shalt  }
0x71: {  	_ =	shalt  }
0x72: {  	_ =	shalt  }
0x73: {  	_ =	shalt  }
0x74: {  	_ =	shalt  }
0x75: {  	_ =	shalt  }
0x76: {  	_ =	shalt  }
0x77: {  	_ =	shalt  }
0x78: {  	_ =	shalt  }
0x79: {  	_ =	shalt  }
0x7a: {  	_ =	shalt  }
0x7b: {  	_ =	shalt  }
0x7c: {  	_ =	shalt  }
0x7d: {  	_ =	shalt  }
0x7e: {  	_ =	shalt  }
0x7f: {  	_ =	shalt  }
0x80: {  	_ =	shalt  }
0x81: {  	_ =	shalt  }
0x82: {  	_ =	shalt  }
0x83: {  	_ =	shalt  }
0x84: {  	_ =	shalt  }
0x85: {  	_ =	shalt  }
0x86: {  	_ =	shalt  }
0x87: {  	_ =	shalt  }
.Lfunc_end0:
.L_simem_size_0:
called_computation_lowered:
.L_overlay_start_0:
0x88: {  	s2 =	sld [smem:$0x3FD9]  }
0x89: {  	s3 =	sld [smem:$0x3FFE];
	_ =	sdelay $0x1  }
0x8a: {  	s1 =	srdreg.scid  }
0x8b: {  	s0 =	sand.u32 $0x1, s1  }
0x8c: {  	s17 =	sshll.u32 s0, $0xA;
	s2 =	sadd.s32 s3, s2  }
0x8d: {  	s2 =	sadd.s32 s2, s17  }
0x8e: {  	[smem:$0x3FC1] =	sst s2  }
0x8f: {  	_ = 	snop  }
0x90: {  	s2 =	sld [smem:$0x3FC8]  }
0x91: {  	s18 =	sld [smem:$0x3FD0];
	(tm) =	ssettm $0x1  }
0x92: {  	s4 =	sld [smem:$0x3FFB];
	_ =	sdelay $0x3  }
0x93: {  	_ =	strace s4  }
0x94: {  	s4 =	sld [smem:$0x3FFC];
	_ =	sdelay $0x3  }
0x95: {  	_ =	strace s4  }
0x96: {  	s4 =	sld [smem:$0x3FFD];
	_ =	sdelay $0x3  }
0x97: {  	_ =	strace s4  }
0x98: {  	_ =	strace $0x8FFFFFFF  }
0x99: {  	s19 =	sld [smem:$0x3FDB];
	_ =	sdelay $0x1  }
0x9a: {  	s5 =	simm.s32 $_scs_section_size  }
0x9b: {  	s6 =	simm.s32 $_size__tile_overlayer_lowered;
	s7 =	simm.s32 $_tile_overlayer_lowered  }
0x9c: {  	s22 =	simm.s32 $0x1BFF;
	s21 =	sshll.u32 s7, $0x1;
	s4 =	sadd.s32 s5, s19  }
0x9d: {  	s8 =	simm.s32 $0x0;
	s20 =	sshll.u32 s6, $0x1;
	s6 =	sadd.s32 s21, s4  }
0x9e: {  	[timem:s8], [sflag:s22] =	dma.local [hbm:s6], s20  }
0x9f: {  	_ =	swait.ge [sflag:s22], s20  }
0xa0: {  	s5 =	ssub.s32 $0x0, s20;
	[sflag:s22] =	ssyncset.done $0x0  }
0xa1: {  	[sflag:s22] =	ssyncadd.s32 s5;
	_ =	sdelay $0x1  }
0xa2: {  	s23 =	simm.s32 $0x1B8B  }
0xa3: {  	_ =	swait.ge [sflag:s23], $0x1  }
0xa4: {  	[sflag:s23] =	ssyncset.done $0x0  }
0xa5: {  	s25 =	simm.s32 $0x1B8E;
	s24 =	sld [smem:$0x3FFE];
	[sflag:s23] =	ssyncadd.s32 $0xFFFFFFFF  }
0xa6: {  	s26 =	simm.s32 $execute0_lowered;
	[smem:$0x3FD2] =	sst s25  }
0xa7: {  	s6 =	sshll.u32 s26, $0x1;
	_ =	strace $0x80000046;
	[dreg:$0x1] =	wrdreg $0xFFFFFFFF  }
0xa8: {  	s28 =	simm.s32 $_size_execute0_lowered;
	s4 =	sadd.s32 s4, s6;
	[dreg:$0x0] =	wrdreg $0x0  }
0xa9: {  	s6 =	sshll.u32 s28, $0x1;
	[dreg:$0x2] =	wrdreg s4  }
0xaa: {  	[dreg:$0x3] =	wrdreg s6  }
0xab: {  	[dreg:$0x4] =	wrdreg $0xC0  }
0xac: {  	_ =	task [dreg:s8], $0x5FFFF  }
0xad: {  	[dreg:$0x1] =	wrdreg $0xFFFFFFFF  }
0xae: {  	[dreg:$0x0] =	wrdreg $0x60  }
0xaf: {  	[dreg:$0x2] =	wrdreg s24  }
0xb0: {  	[dreg:$0x3] =	wrdreg s2  }
0xb1: {  	[dreg:$0x4] =	wrdreg s18  }
0xb2: {  	[dreg:$0x5] =	wrdreg $0x9  }
0xb3: {  	_ =	task.clear_ibuf [dreg:s8], $0x6FFFF;
	_ =	strace $0x90000046  }
0xb4: {  	s29 =	simm.s32 $0x9;
	_ =	strace $0x80000048  }
0xb5: {  	_ =	swait.ge [sflag:s29], $0x1  }
0xb6: {  	[sflag:s29] =	ssyncadd.s32 $0xFFFFFFFF  }
0xb7: {  	_ =	strace $0x90000048  }
0xb8: {  	_ =	sfence  }
0xb9: {  	s30 =	sld [smem:$0x0];
	_ =	sdelay $0x2  }
0xba: {  	s31 =	sshll.u32 s1, $0xD;
	s1 =	sshrl.u32 s1, $0x2  }
0xbb: {  	s3 =	sand.u32 $0x4000, s31;
	s1 =	sadd.s32 s1, s30  }
0xbc: {  	s0 =	sor.u32 s3, s0;
	s1 =	sshll.u32 s1, $0x11  }
0xbd: {  	s0 =	sor.u32 s1, s0  }
0xbe: {  	s0 =	sadd.s32 $0x8F2B, s0  }
0xbf: {  	[sflag:s0] =	ssyncadd.remote.s32 $0x1  }
0xc0: {  	_ =	sfence.sel $0xFFFF  }
0xc1: {  	[dreg:$0x0] =	wrdreg $0xFFFFFFFF;
	(pc) =	sbr.abs _section_cstart, $3  }
0xc2: {  	[dreg:$0x1] =	wrdreg $0xFFFFFFFF  }
0xc3: {  	_ =	task.clear_ibuf [dreg:s8], $0x2FFFF;
	_ =	strace $0x9FFFFFFF  }
0xc4: {  	(tm) =	ssettm $0x7FFFFFFF  }
0xc5: {  	_ =	shalt  }
tec
execute0_lowered:
.L_overlay_start_1:
0x0: {  	(tag) =	ssettag $0x1  }
0x1: {  	s0 =	rddreg [dreg:$0x0];
	s3 =	simm.s32 $0x0;
	s1 =	srdreg.scid  }
0x2: {  	s6 =	stileid.u32;
	s15 =	simm.s32 $0x5;
	s19 =	simm.s32 $0x80  }
0x3: {  	s29 =	simm.s32 $0x5800;
	s30 =	simm.s32 $0x9800;
	s31 =	simm.s32 $0xD800  }
0x4: {  	s12 =	simm.s32 $0x1;
	s13 =	simm.s32 $0x16B00;
	s14 =	simm.s32 $0x0  }
0x5: {  	s16 =	simm.s32 $0x0;
	[smem:$0x7FF] =	sst s3;
	s2 =	sadd.s32 $0x24EA00, s0  }
0x6: {  	s5 =	sadd.s32 $0x4800, s0;
	s1 =	sand.u32 $0x1, s1;
	s7 =	sadd.s32 $0xC7E00, s0  }
0x7: {  	s8 =	sadd.s32 $0x18B400, s0;
	s9 =	sadd.s32 $0x2800, s0;
	s25 =	sshll.u32 s6, $0xA  }
0x8: {  	v0 =	vlaneseq.u32;
	s10 =	sadd.s32 $0x3800, s0;
	s0 =	simm.s32 $0x10800;
	s24 =	ssub.s32 $0x2, s1  }
0x9: {  	v0 =	vmul.u32 $0x88, v0;
	_ =	strace $0x80000047;
	s1 =	sshll.u32 s1, $0x9;
	s4 =	sshrl.u32 s24, $0x1  }
0xa: {  	[dreg:$0x4] =	wrdreg s2;
	s26 =	sor.u32 s1, s25;
	s2 =	ssub.s32 s24, s4  }
0xb: {  	s6 =	simm.s32 $0x12800;
	v1 =	vadd.s32 $0x880, v0;
	v2 =	vadd.s32 $0x1100, v0;
	[dreg:$0x5] =	wrdreg s26;
	s28 =	smax.u32 s2, $0x1  }
0xc: {  	s1 =	simm.s32 $0x13800;
	v3 =	vadd.s32 $0x1980, v0;
	v4 =	vadd.s32 $0x2200, v0;
	v5 =	vadd.s32 $0x2A80, v0;
	s2 =	simm.s32 $0x2;
	[dreg:$0x6] =	wrdreg s28  }
.LBB2_1:
0xd: {  	[dreg:$0x7] =	wrdreg s14;
	s14 =	simm.s32 $0x0  }
.LBB2_2:
0xe: {  	s4 =	sshll.u32 s14, $0x7;
	s11 =	rddreg [dreg:$0x5]  }
0xf: {  	s23 =	rddreg [dreg:$0x4];
	s4 =	sadd.s32 s11, s4  }
0x10: {  	s17 =	simm.s32 $0x400;
	s18 =	simm.s32 $0x20000;
	s11 =	sadd.s32 s23, s4  }
0x11: {  	[tilespmem:s16], [sflag:$0x5] =	stream.strided.gather [hbm4b:s11+s17], $0x2400, s18, s17, $0x38;
	[tilespmem:$0x19E00] =	vst v63  }
0x12: {  	_ =	swait.ge [sflag:s15], $0x2400  }
0x13: {  	[sflag:s15] =	ssyncset.done $0x0  }
0x14: {  	[sflag:s15] =	ssyncadd.s32 $0xFFFFDC00  }
0x15: {  	s26 =	simm.s32 $0x100;
	s24 =	sshrl.u32 s4, $0x2;
	s25 =	rddreg [dreg:$0x1]  }
0x16: {  	s28 =	simm.s32 $0x8000;
	s20 =	simm.s32 $0x2400;
	s11 =	sadd.s32 s25, s24  }
0x17: {  	[tilespmem:s20], [sflag:$0x5] =	stream.strided.gather [hbm4b:s11+s26], $0x1400, s28, s26, $0x38;
	[tilespmem:$0x19E00] =	vst v63  }
0x18: {  	_ =	swait.ge [sflag:s15], $0x1400  }
0x19: {  	[sflag:s15] =	ssyncset.done $0x0  }
0x1a: {  	s17 =	simm.s32 $0x3800;
	[sflag:s15] =	ssyncadd.s32 $0xFFFFEC00  }
0x1b: {  	[tilespmem:s17], [sflag:$0x1] =	stream.indirect.gather [hbm4b:s5+s19], $0x40, s16, s19, $0xb8;
	[tilespmem:$0x19E00] =	vst v63  }
0x1c: {  	s21 =	simm.s32 $0x7800;
	s18 =	simm.s32 $0xC00  }
0x1d: {  	[tilespmem:s21], [sflag:$0x1] =	stream.indirect.gather [hbm4b:s7+s19], $0x40, s18, s19, $0xb8;
	[tilespmem:$0x19E00] =	vst v63  }
0x1e: {  	s22 =	simm.s32 $0x1800;
	s23 =	simm.s32 $0xB800;
	s24 =	simm.s32 $0xF800  }
0x1f: {  	[tilespmem:s23], [sflag:$0x1] =	stream.indirect.gather [hbm4b:s8+s19], $0x40, s22, s19, $0xb8;
	[tilespmem:$0x19E00] =	vst v63  }
0x20: {  	s25 =	simm.s32 $0x2480;
	s26 =	simm.s32 $0x11800;
	s28 =	rddreg [dreg:$0x2]  }
0x21: {  	[tilespmem:s24], [sflag:$0x1] =	stream.indirect.gather [hbm4b:s9+s19], $0x20, s20, s19, $0xb8;
	[tilespmem:$0x19E00] =	vst v63  }
0x22: {  	s17 =	smul.u32 $0x14, s14;
	s21 =	simm.s32 $0x0;
	s20 =	sadd.s32 s28, s4  }
0x23: {  	[tilespmem:s26], [sflag:$0x1] =	stream.indirect.gather [hbm4b:s10+s19], $0x20, s25, s19, $0xb8;
	[tilespmem:$0x19E00] =	vst v63  }
.LBB2_3:
0x24: {  	s22 =	sshllo.u32 s21, $0x1  }
0x25: {  	s4 =	sshll.u32 s21, $0x8;
	s11 =	sshll.u32 s22, $0x7  }
0x26: {  	s4 =	sand.u32 $0xC00, s4;
	s11 =	sand.u32 $0x380, s11  }
0x27: {  	s4 =	sor.u32 s11, s4  }
0x28: {  	[tilespmem:s29], [sflag:$0x2] =	stream.indirect.gather [hbm4b:s5+s19], $0x40, s4, s19, $0xb8;
	[tilespmem:$0x19E00] =	vst v63  }
0x29: {  	s11 =	sadd.s32 $0xC00, s4  }
0x2a: {  	[tilespmem:s30], [sflag:$0x2] =	stream.indirect.gather [hbm4b:s7+s19], $0x40, s11, s19, $0xb8;
	[tilespmem:$0x19E00] =	vst v63  }
0x2b: {  	s23 =	sshll.u32 s22, $0x8;
	s4 =	sadd.s32 $0x1800, s4  }
0x2c: {  	[tilespmem:s31], [sflag:$0x2] =	stream.indirect.gather [hbm4b:s8+s19], $0x40, s4, s19, $0xb8;
	[tilespmem:$0x19E00] =	vst v63  }
0x2d: {  	s4 =	sand.u32 $0x3FFFFF00, s23  }
0x2e: {  	s24 =	sadd.s32 $0x2400, s4  }
0x2f: {  	[tilespmem:s0], [sflag:$0x2] =	stream.indirect.gather [hbm4b:s9+s19], $0x20, s24, s19, $0xb8;
	[tilespmem:$0x19E00] =	vst v63  }
0x30: {  	s4 =	sadd.s32 $0x2480, s4  }
0x31: {  	[tilespmem:s6], [sflag:$0x2] =	stream.indirect.gather [hbm4b:s10+s19], $0x20, s4, s19, $0xb8;
	[tilespmem:$0x19E00] =	vst v63  }
0x32: {  	_ =	swait.ge [sflag:s12], $0x2000  }
0x33: {  	[sflag:s12] =	ssyncset.done $0x0  }
0x34: {  	[sflag:s12] =	ssyncadd.s32 $0xFFFFE000  }
0x35: {  	_ =	swait.ge [sflag:s12], $0x2000  }
0x36: {  	[sflag:s12] =	ssyncset.done $0x0  }
0x37: {  	[sflag:s12] =	ssyncadd.s32 $0xFFFFE000  }
0x38: {  	_ =	swait.ge [sflag:s12], $0x2000  }
0x39: {  	[sflag:s12] =	ssyncset.done $0x0  }
0x3a: {  	[sflag:s12] =	ssyncadd.s32 $0xFFFFE000  }
0x3b: {  	_ =	swait.ge [sflag:s12], $0x1000  }
0x3c: {  	[sflag:s12] =	ssyncset.done $0x0  }
0x3d: {  	[sflag:s12] =	ssyncadd.s32 $0xFFFFF000  }
0x3e: {  	_ =	swait.ge [sflag:s12], $0x1000  }
0x3f: {  	[sflag:s12] =	ssyncset.done $0x0  }
0x40: {  	s25 =	simm.s32 $0x3820;
	[sflag:s12] =	ssyncadd.s32 $0xFFFFF000  }
0x41: {  	s26 =	simm.s32 $0x7820;
	v6 =	vld [tilespmem:s25+$0xFFFFFFE0]  }
0x42: {  	v7 =	vld [tilespmem:s26+$0xFFFFFFE0]  }
0x43: {  	s24 =	simm.s32 $0xB820  }
0x44: {  	v8 =	vmov s16;
	v9 =	vld [tilespmem:s24+$0xFFFFFFE0]  }
0x45: {  	v8 =	vand.u32 $0x7F, v8  }
0x46: {  	v10 =	vadd.s32 v0, v8  }
0x47: {  	v6 =	vadd.f32 v7, v6;
	_ =	sdelay $0x1  }
0x48: {  	v6 =	vadd.f32 v9, v6;
	_ =	sdelay $0x1  }
0x49: {  	[tilespmem:v10+s1+$0x0] =	vst.idx.msk $0xffff, v6  }
0x4a: {  	v6 =	vld [tilespmem:s25+$0xFFFFFFF0]  }
0x4b: {  	v7 =	vld [tilespmem:s26+$0xFFFFFFF0];
	_ =	sdelay $0x1  }
0x4c: {  	v9 =	vld [tilespmem:s24+$0xFFFFFFF0];
	_ =	sdelay $0x1  }
0x4d: {  	v10 =	vadd.s32 v1, v8  }
0x4e: {  	v6 =	vadd.f32 v7, v6;
	_ =	sdelay $0x1  }
0x4f: {  	v6 =	vadd.f32 v9, v6;
	_ =	sdelay $0x1  }
0x50: {  	[tilespmem:v10+s1+$0x0] =	vst.idx.msk $0xffff, v6  }
0x51: {  	v6 =	vld [tilespmem:s25+$0x0]  }
0x52: {  	v7 =	vld [tilespmem:s26+$0x0];
	_ =	sdelay $0x1  }
0x53: {  	v9 =	vld [tilespmem:s24+$0x0];
	_ =	sdelay $0x1  }
0x54: {  	v10 =	vadd.s32 v2, v8  }
0x55: {  	v6 =	vadd.f32 v7, v6;
	_ =	sdelay $0x1  }
0x56: {  	v6 =	vadd.f32 v9, v6;
	_ =	sdelay $0x1  }
0x57: {  	[tilespmem:v10+s1+$0x0] =	vst.idx.msk $0xffff, v6  }
0x58: {  	v6 =	vld [tilespmem:s25+$0x10]  }
0x59: {  	v7 =	vld [tilespmem:s26+$0x10];
	_ =	sdelay $0x1  }
0x5a: {  	v9 =	vld [tilespmem:s24+$0x10];
	_ =	sdelay $0x1  }
0x5b: {  	v10 =	vadd.s32 v3, v8  }
0x5c: {  	v6 =	vadd.f32 v7, v6;
	_ =	sdelay $0x1  }
0x5d: {  	v6 =	vadd.f32 v9, v6;
	_ =	sdelay $0x1  }
0x5e: {  	s25 =	simm.s32 $0xF810;
	[tilespmem:v10+s1+$0x0] =	vst.idx.msk $0xffff, v6  }
0x5f: {  	s26 =	simm.s32 $0x11810;
	v6 =	vld [tilespmem:s25+$0xFFFFFFF0]  }
0x60: {  	v7 =	vld [tilespmem:s26+$0xFFFFFFF0];
	_ =	sdelay $0x1  }
0x61: {  	v9 =	vadd.s32 v4, v8;
	_ =	sdelay $0x2  }
0x62: {  	v6 =	vadd.f32 v7, v6;
	_ =	sdelay $0x1  }
0x63: {  	[tilespmem:v9+s1+$0x0] =	vst.idx.msk $0xffff, v6  }
0x64: {  	s28 =	simm.s32 $0x1;
	v7 =	vld [tilespmem:s25+$0x0]  }
0x65: {  	s11 =	simm.s32 $0x7860;
	s23 =	sshll.u32 s21, $0x1;
	s4 =	simm.s32 $0x3860;
	v6 =	vadd.s32 v5, v8;
	v8 =	vld [tilespmem:s26+$0x0]  }
.LBB2_4:
0x66: {  	s24 =	sadd.s32 $0x40, s24;
	s25 =	sadd.s32 $0x20, s25;
	s26 =	sadd.s32 $0x20, s26  }
0x67: {  	p0 =	sne.s32 s28, $0x7F;
	s18 =	smov.u32 s28;
	s28 =	sadd.s32 $0x1, s28  }
0x68: {  	_ =	sdelay $0x1  }
0x69: {  	v7 =	vadd.f32 v8, v7;
	_ =	sdelay $0x1  }
0x6a: {  	[tilespmem:v6+s1+$0x0] =	vst.idx.msk $0xffff, v7  }
0x6b: {  	v7 =	vld [tilespmem:s4+$0xFFFFFFE0]  }
0x6c: {  	v8 =	vld [tilespmem:s11+$0xFFFFFFE0];
	_ =	sdelay $0x1  }
0x6d: {  	v6 =	vmov s18;
	v9 =	vld [tilespmem:s24+$0xFFFFFFE0]  }
0x6e: {  	v10 =	vand.u32 $0x7F, v6  }
0x6f: {  	v11 =	vadd.s32 v0, v10;
	v6 =	vadd.s32 v5, v10  }
0x70: {  	v7 =	vadd.f32 v8, v7;
	_ =	sdelay $0x1  }
0x71: {  	v7 =	vadd.f32 v9, v7;
	_ =	sdelay $0x1  }
0x72: {  	[tilespmem:v11+s1+$0x0] =	vst.idx.msk $0xffff, v7  }
0x73: {  	v7 =	vld [tilespmem:s4+$0xFFFFFFF0]  }
0x74: {  	v8 =	vld [tilespmem:s11+$0xFFFFFFF0];
	_ =	sdelay $0x1  }
0x75: {  	v9 =	vld [tilespmem:s24+$0xFFFFFFF0];
	_ =	sdelay $0x1  }
0x76: {  	v11 =	vadd.s32 v1, v10  }
0x77: {  	v7 =	vadd.f32 v8, v7;
	_ =	sdelay $0x1  }
0x78: {  	v7 =	vadd.f32 v9, v7;
	_ =	sdelay $0x1  }
0x79: {  	[tilespmem:v11+s1+$0x0] =	vst.idx.msk $0xffff, v7  }
0x7a: {  	v7 =	vld [tilespmem:s4+$0x0]  }
0x7b: {  	v8 =	vld [tilespmem:s11+$0x0];
	_ =	sdelay $0x1  }
0x7c: {  	v9 =	vld [tilespmem:s24+$0x0];
	_ =	sdelay $0x1  }
0x7d: {  	v11 =	vadd.s32 v2, v10  }
0x7e: {  	v7 =	vadd.f32 v8, v7;
	_ =	sdelay $0x1  }
0x7f: {  	v7 =	vadd.f32 v9, v7;
	_ =	sdelay $0x1  }
0x80: {  	[tilespmem:v11+s1+$0x0] =	vst.idx.msk $0xffff, v7  }
0x81: {  	v7 =	vld [tilespmem:s4+$0x10]  }
0x82: {  	v8 =	vld [tilespmem:s11+$0x10];
	_ =	sdelay $0x1  }
0x83: {  	v9 =	vld [tilespmem:s24+$0x10];
	_ =	sdelay $0x1  }
0x84: {  	v11 =	vadd.s32 v3, v10  }
0x85: {  	v7 =	vadd.f32 v8, v7;
	_ =	sdelay $0x1  }
0x86: {  	v7 =	vadd.f32 v9, v7;
	_ =	sdelay $0x1  }
0x87: {  	[tilespmem:v11+s1+$0x0] =	vst.idx.msk $0xffff, v7  }
0x88: {  	v7 =	vld [tilespmem:s25+$0xFFFFFFF0]  }
0x89: {  	v8 =	vld [tilespmem:s26+$0xFFFFFFF0];
	_ =	sdelay $0x1  }
0x8a: {  	v9 =	vadd.s32 v4, v10;
	_ =	sdelay $0x2  }
.Ltmp0:
0x8b: {  	v7 =	vadd.f32 v8, v7;
	(pc) =	sbr.rel @p0 .LBB2_4-.Ltmp0, $4  }
0x8c: {  	_ = 	snop  }
0x8d: {  	[tilespmem:v9+s1+$0x0] =	vst.idx.msk $0xffff, v7  }
0x8e: {  	v7 =	vld [tilespmem:s25+$0x0]  }
0x8f: {  	s4 =	sadd.s32 $0x40, s4;
	s11 =	sadd.s32 $0x40, s11;
	v8 =	vld [tilespmem:s26+$0x0]  }
0x90: {  	_ =	sdelay $0x3  }
0x91: {  	s4 =	sor.u32 s17, s21;
	v7 =	vadd.f32 v8, v7  }
0x92: {  	p0 =	seq.s32 s4, $0x0  }
0x93: {  	s4 =	simm.s32 @!p0 $0x3;
	[tilespmem:v6+s1+$0x0] =	vst.idx.msk $0xffff, v7  }
0x94: {  	s11 =	smul.u32 $0x60000, s21;
	_ =	swait.ge @!p0 [sflag:s4], $0x3000  }
0x95: {  	[sflag:s4] =	ssyncset.done @!p0 $0x0  }
0x96: {  	s24 =	simm.s32 $0x13800;
	s11 =	sadd.s32 s11, s20;
	[sflag:s4] =	ssyncadd.s32 @!p0 $0xFFFFD000  }
0x97: {  	[hbm4b:s11+s3] =	stream.linear.scatter [tilespmem:s24], [sflag:$0x3], $0x80, $0x38;
	[tilespmem:$0x19E00] =	vst v63  }
0x98: {  	s25 =	simm.s32 $0x13888;
	s18 =	sadd.s32 $0x10, s11  }
0x99: {  	[hbm4b:s18+s3] =	stream.linear.scatter [tilespmem:s25], [sflag:$0x3], $0x80, $0x38;
	[tilespmem:$0x19E00] =	vst v63  }
0x9a: {  	s26 =	simm.s32 $0x13910;
	s28 =	sadd.s32 $0x20, s11  }
0x9b: {  	[hbm4b:s28+s3] =	stream.linear.scatter [tilespmem:s26], [sflag:$0x3], $0x80, $0x38;
	[tilespmem:$0x19E00] =	vst v63  }
0x9c: {  	s24 =	simm.s32 $0x13998;
	s25 =	sadd.s32 $0x30, s11  }
0x9d: {  	[hbm4b:s25+s3] =	stream.linear.scatter [tilespmem:s24], [sflag:$0x3], $0x80, $0x38;
	[tilespmem:$0x19E00] =	vst v63  }
0x9e: {  	s26 =	simm.s32 $0x13A20;
	s28 =	sadd.s32 $0x40, s11  }
0x9f: {  	[hbm4b:s28+s3] =	stream.linear.scatter [tilespmem:s26], [sflag:$0x3], $0x80, $0x38;
	[tilespmem:$0x19E00] =	vst v63  }
0xa0: {  	s4 =	simm.s32 $0x440;
	s24 =	simm.s32 $0x13AA8;
	s25 =	sadd.s32 $0x50, s11  }
0xa1: {  	[hbm4b:s25+s3] =	stream.linear.scatter [tilespmem:s24], [sflag:$0x3], $0x80, $0x38;
	[tilespmem:$0x19E00] =	vst v63  }
0xa2: {  	s26 =	simm.s32 $0x13B30;
	s28 =	sadd.s32 $0x60, s11;
	s24 =	simm.s32 $0x2200  }
0xa3: {  	[hbm4b:s28+s3] =	stream.linear.scatter [tilespmem:s26], [sflag:$0x3], $0x80, $0x38;
	[tilespmem:$0x19E00] =	vst v63  }
0xa4: {  	s25 =	simm.s32 $0x13BB8;
	s26 =	sadd.s32 $0x70, s11;
	s11 =	sadd.s32 $0x4000, s11  }
.LBB2_6:
0xa5: {  	[hbm4b:s26+s3] =	stream.linear.scatter [tilespmem:s25], [sflag:$0x3], $0x80, $0x38;
	[tilespmem:$0x19E00] =	vst v63  }
0xa6: {  	s18 =	smov.u32 s4;
	s4 =	smov.u32 s24  }
0xa7: {  	s28 =	sadd.s32 $0x1100, s24;
	s4 =	sshra.s32 s4, $0x2;
	s25 =	sadd.s32 $0x13800, s18  }
0xa8: {  	[hbm4b:s11+s3] =	stream.linear.scatter [tilespmem:s25], [sflag:$0x3], $0x80, $0x38;
	[tilespmem:$0x19E00] =	vst v63  }
0xa9: {  	p0 =	sne.s32 s24, $0xBB00;
	s24 =	sadd.s32 $0x13888, s18;
	s25 =	sadd.s32 $0x10, s11  }
0xaa: {  	[hbm4b:s25+s3] =	stream.linear.scatter [tilespmem:s24], [sflag:$0x3], $0x80, $0x38;
	[tilespmem:$0x19E00] =	vst v63  }
0xab: {  	s24 =	sadd.s32 $0x13910, s18;
	s25 =	sadd.s32 $0x20, s11  }
0xac: {  	[hbm4b:s25+s3] =	stream.linear.scatter [tilespmem:s24], [sflag:$0x3], $0x80, $0x38;
	[tilespmem:$0x19E00] =	vst v63  }
0xad: {  	s24 =	sadd.s32 $0x13998, s18;
	s25 =	sadd.s32 $0x30, s11  }
0xae: {  	[hbm4b:s25+s3] =	stream.linear.scatter [tilespmem:s24], [sflag:$0x3], $0x80, $0x38;
	[tilespmem:$0x19E00] =	vst v63  }
0xaf: {  	s24 =	sadd.s32 $0x13A20, s18;
	s25 =	sadd.s32 $0x40, s11  }
0xb0: {  	[hbm4b:s25+s3] =	stream.linear.scatter [tilespmem:s24], [sflag:$0x3], $0x80, $0x38;
	[tilespmem:$0x19E00] =	vst v63  }
.Ltmp1:
0xb1: {  	s24 =	sadd.s32 $0x13AA8, s18;
	s25 =	sadd.s32 $0x50, s11;
	(pc) =	sbr.rel @p0 .LBB2_6-.Ltmp1, $4  }
0xb2: {  	[hbm4b:s25+s3] =	stream.linear.scatter [tilespmem:s24], [sflag:$0x3], $0x80, $0x38;
	[tilespmem:$0x19E00] =	vst v63  }
0xb3: {  	s26 =	sadd.s32 $0x70, s11;
	s24 =	sadd.s32 $0x13B30, s18;
	s25 =	sadd.s32 $0x60, s11  }
0xb4: {  	[hbm4b:s25+s3] =	stream.linear.scatter [tilespmem:s24], [sflag:$0x3], $0x80, $0x38;
	[tilespmem:$0x19E00] =	vst v63  }
0xb5: {  	s11 =	sadd.s32 $0x4000, s11;
	s25 =	sadd.s32 $0x13BB8, s18;
	s24 =	smov.u32 s28  }
0xb6: {  	[hbm4b:s26+s3] =	stream.linear.scatter [tilespmem:s25], [sflag:$0x3], $0x80, $0x38;
	[tilespmem:$0x19E00] =	vst v63  }
0xb7: {  	s18 =	sadd.s32 $0x13800, s4  }
0xb8: {  	[hbm4b:s11+s3] =	stream.linear.scatter [tilespmem:s18], [sflag:$0x3], $0x80, $0x38;
	[tilespmem:$0x19E00] =	vst v63  }
0xb9: {  	s25 =	sadd.s32 $0x13888, s4;
	s24 =	sadd.s32 $0x10, s11  }
0xba: {  	[hbm4b:s24+s3] =	stream.linear.scatter [tilespmem:s25], [sflag:$0x3], $0x80, $0x38;
	[tilespmem:$0x19E00] =	vst v63  }
0xbb: {  	s26 =	sadd.s32 $0x13910, s4;
	s28 =	sadd.s32 $0x20, s11  }
0xbc: {  	[hbm4b:s28+s3] =	stream.linear.scatter [tilespmem:s26], [sflag:$0x3], $0x80, $0x38;
	[tilespmem:$0x19E00] =	vst v63  }
0xbd: {  	s24 =	sadd.s32 $0x13998, s4;
	s25 =	sadd.s32 $0x30, s11  }
0xbe: {  	[hbm4b:s25+s3] =	stream.linear.scatter [tilespmem:s24], [sflag:$0x3], $0x80, $0x38;
	[tilespmem:$0x19E00] =	vst v63  }
0xbf: {  	p0 =	seq.s32 s21, $0x9;
	s26 =	sadd.s32 $0x13A20, s4;
	s28 =	sadd.s32 $0x40, s11  }
0xc0: {  	[hbm4b:s28+s3] =	stream.linear.scatter [tilespmem:s26], [sflag:$0x3], $0x80, $0x38;
	[tilespmem:$0x19E00] =	vst v63  }
0xc1: {  	s18 =	sadd.s32 $0x13BB8, s4;
	s24 =	sadd.s32 $0x13AA8, s4;
	s25 =	sadd.s32 $0x50, s11  }
0xc2: {  	[hbm4b:s25+s3] =	stream.linear.scatter [tilespmem:s24], [sflag:$0x3], $0x80, $0x38;
	[tilespmem:$0x19E00] =	vst v63  }
0xc3: {  	s26 =	sadd.s32 $0x13B30, s4;
	s28 =	sadd.s32 $0x60, s11;
	s4 =	sadd.s32 @!p0 $0x2, s23  }
0xc4: {  	[hbm4b:s28+s3] =	stream.linear.scatter [tilespmem:s26], [sflag:$0x3], $0x80, $0x38;
	[tilespmem:$0x19E00] =	vst v63  }
0xc5: {  	s24 =	sadd.s32 $0x70, s11;
	s11 =	sshll.u32 @!p0 s4, $0x7  }
0xc6: {  	[hbm4b:s24+s3] =	stream.linear.scatter [tilespmem:s18], [sflag:$0x3], $0x80, $0x38;
	[tilespmem:$0x19E00] =	vst v63  }
0xc7: {  	s23 =	simm.s32 @!p0 $0x3800;
	s11 =	sand.u32 @!p0 $0x3FFFFF80, s11;
	s18 =	simm.s32 @!p0 $0x80  }
0xc8: {  	[tilespmem:s23], [sflag:$0x1] =	stream.indirect.gather @!p0 [hbm4b:s5+s18], $0x40, s11, s18, $0xb8;
	[tilespmem:$0x19E00] =	vst v63  }
0xc9: {  	s4 =	sshll.u32 @!p0 s4, $0x8;
	s24 =	simm.s32 @!p0 $0x7800;
	s23 =	sadd.s32 @!p0 $0xC00, s11  }
0xca: {  	[tilespmem:s24], [sflag:$0x1] =	stream.indirect.gather @!p0 [hbm4b:s7+s18], $0x40, s23, s18, $0xb8;
	[tilespmem:$0x19E00] =	vst v63  }
0xcb: {  	s4 =	sand.u32 @!p0 $0x3FFFFF00, s4;
	s11 =	sadd.s32 @!p0 $0x1800, s11;
	s23 =	simm.s32 @!p0 $0xB800  }
0xcc: {  	[tilespmem:s23], [sflag:$0x1] =	stream.indirect.gather @!p0 [hbm4b:s8+s18], $0x40, s11, s18, $0xb8;
	[tilespmem:$0x19E00] =	vst v63  }
0xcd: {  	s11 =	sadd.s32 @!p0 $0x2400, s4;
	s23 =	simm.s32 @!p0 $0xF800  }
0xce: {  	[tilespmem:s23], [sflag:$0x1] =	stream.indirect.gather @!p0 [hbm4b:s9+s18], $0x20, s11, s18, $0xb8;
	[tilespmem:$0x19E00] =	vst v63  }
0xcf: {  	s4 =	sadd.s32 @!p0 $0x2480, s4;
	s11 =	simm.s32 @!p0 $0x11800  }
0xd0: {  	[tilespmem:s11], [sflag:$0x1] =	stream.indirect.gather @!p0 [hbm4b:s10+s18], $0x20, s4, s18, $0xb8;
	[tilespmem:$0x19E00] =	vst v63  }
0xd1: {  	_ =	swait.ge [sflag:s2], $0x2000  }
0xd2: {  	[sflag:s2] =	ssyncset.done $0x0  }
0xd3: {  	[sflag:s2] =	ssyncadd.s32 $0xFFFFE000  }
0xd4: {  	_ =	swait.ge [sflag:s2], $0x2000  }
0xd5: {  	[sflag:s2] =	ssyncset.done $0x0  }
0xd6: {  	[sflag:s2] =	ssyncadd.s32 $0xFFFFE000  }
0xd7: {  	_ =	swait.ge [sflag:s2], $0x2000  }
0xd8: {  	[sflag:s2] =	ssyncset.done $0x0  }
0xd9: {  	[sflag:s2] =	ssyncadd.s32 $0xFFFFE000  }
0xda: {  	_ =	swait.ge [sflag:s2], $0x1000  }
0xdb: {  	[sflag:s2] =	ssyncset.done $0x0  }
0xdc: {  	[sflag:s2] =	ssyncadd.s32 $0xFFFFF000  }
0xdd: {  	_ =	swait.ge [sflag:s2], $0x1000  }
0xde: {  	[sflag:s2] =	ssyncset.done $0x0  }
0xdf: {  	s25 =	simm.s32 $0x5830;
	[sflag:s2] =	ssyncadd.s32 $0xFFFFF000  }
0xe0: {  	s26 =	simm.s32 $0x9830;
	v6 =	vld [tilespmem:s25+$0xFFFFFFD0]  }
0xe1: {  	v7 =	vld [tilespmem:s26+$0xFFFFFFD0]  }
0xe2: {  	s28 =	simm.s32 $0x0;
	s23 =	simm.s32 $0xD830  }
0xe3: {  	v8 =	vmov s28;
	v9 =	vld [tilespmem:s23+$0xFFFFFFD0]  }
0xe4: {  	v8 =	vand.u32 $0x7F, v8  }
0xe5: {  	v10 =	vadd.s32 v0, v8  }
0xe6: {  	v6 =	vadd.f32 v7, v6;
	_ =	sdelay $0x1  }
0xe7: {  	v6 =	vadd.f32 v9, v6;
	_ =	sdelay $0x1  }
0xe8: {  	[tilespmem:v10+s13+$0x0] =	vst.idx.msk $0xffff, v6  }
0xe9: {  	v6 =	vld [tilespmem:s25+$0xFFFFFFE0]  }
0xea: {  	v7 =	vld [tilespmem:s26+$0xFFFFFFE0];
	_ =	sdelay $0x1  }
0xeb: {  	v9 =	vld [tilespmem:s23+$0xFFFFFFE0];
	_ =	sdelay $0x1  }
0xec: {  	v10 =	vadd.s32 v1, v8  }
0xed: {  	v6 =	vadd.f32 v7, v6;
	_ =	sdelay $0x1  }
0xee: {  	v6 =	vadd.f32 v9, v6;
	_ =	sdelay $0x1  }
0xef: {  	[tilespmem:v10+s13+$0x0] =	vst.idx.msk $0xffff, v6  }
0xf0: {  	v6 =	vld [tilespmem:s25+$0xFFFFFFF0]  }
0xf1: {  	v7 =	vld [tilespmem:s26+$0xFFFFFFF0];
	_ =	sdelay $0x1  }
0xf2: {  	v9 =	vld [tilespmem:s23+$0xFFFFFFF0];
	_ =	sdelay $0x1  }
0xf3: {  	v10 =	vadd.s32 v2, v8  }
0xf4: {  	v6 =	vadd.f32 v7, v6;
	_ =	sdelay $0x1  }
0xf5: {  	v6 =	vadd.f32 v9, v6;
	_ =	sdelay $0x1  }
0xf6: {  	[tilespmem:v10+s13+$0x0] =	vst.idx.msk $0xffff, v6  }
0xf7: {  	v6 =	vld [tilespmem:s25+$0x0]  }
0xf8: {  	v7 =	vld [tilespmem:s26+$0x0];
	_ =	sdelay $0x1  }
0xf9: {  	v9 =	vld [tilespmem:s23+$0x0];
	_ =	sdelay $0x1  }
0xfa: {  	v10 =	vadd.s32 v3, v8  }
0xfb: {  	v6 =	vadd.f32 v7, v6;
	_ =	sdelay $0x1  }
0xfc: {  	v6 =	vadd.f32 v9, v6;
	_ =	sdelay $0x1  }
0xfd: {  	s24 =	simm.s32 $0x10810;
	[tilespmem:v10+s13+$0x0] =	vst.idx.msk $0xffff, v6  }
0xfe: {  	s25 =	simm.s32 $0x12810;
	v6 =	vld [tilespmem:s24+$0xFFFFFFF0]  }
0xff: {  	v7 =	vld [tilespmem:s25+$0xFFFFFFF0];
	_ =	sdelay $0x1  }
0x100: {  	v9 =	vadd.s32 v4, v8;
	_ =	sdelay $0x2  }
0x101: {  	v6 =	vadd.f32 v7, v6;
	_ =	sdelay $0x1  }
0x102: {  	[tilespmem:v9+s13+$0x0] =	vst.idx.msk $0xffff, v6  }
0x103: {  	v7 =	vld [tilespmem:s24+$0x0]  }
0x104: {  	s4 =	simm.s32 $0x5870;
	s11 =	simm.s32 $0x9870;
	s26 =	simm.s32 $0x1;
	v6 =	vadd.s32 v5, v8;
	v8 =	vld [tilespmem:s25+$0x0]  }
.LBB2_8:
0x105: {  	s23 =	sadd.s32 $0x40, s23;
	s24 =	sadd.s32 $0x20, s24;
	s25 =	sadd.s32 $0x20, s25  }
0x106: {  	p0 =	sne.s32 s26, $0x7F;
	s18 =	smov.u32 s26;
	s26 =	sadd.s32 $0x1, s26  }
0x107: {  	_ =	sdelay $0x1  }
0x108: {  	v7 =	vadd.f32 v8, v7;
	_ =	sdelay $0x1  }
0x109: {  	[tilespmem:v6+s13+$0x0] =	vst.idx.msk $0xffff, v7  }
0x10a: {  	v7 =	vld [tilespmem:s4+$0xFFFFFFD0]  }
0x10b: {  	v8 =	vld [tilespmem:s11+$0xFFFFFFD0];
	_ =	sdelay $0x1  }
0x10c: {  	v6 =	vmov s18;
	v9 =	vld [tilespmem:s23+$0xFFFFFFD0]  }
0x10d: {  	v10 =	vand.u32 $0x7F, v6  }
0x10e: {  	v11 =	vadd.s32 v0, v10;
	v6 =	vadd.s32 v5, v10  }
0x10f: {  	v7 =	vadd.f32 v8, v7;
	_ =	sdelay $0x1  }
0x110: {  	v7 =	vadd.f32 v9, v7;
	_ =	sdelay $0x1  }
0x111: {  	[tilespmem:v11+s13+$0x0] =	vst.idx.msk $0xffff, v7  }
0x112: {  	v7 =	vld [tilespmem:s4+$0xFFFFFFE0]  }
0x113: {  	v8 =	vld [tilespmem:s11+$0xFFFFFFE0];
	_ =	sdelay $0x1  }
0x114: {  	v9 =	vld [tilespmem:s23+$0xFFFFFFE0];
	_ =	sdelay $0x1  }
0x115: {  	v11 =	vadd.s32 v1, v10  }
0x116: {  	v7 =	vadd.f32 v8, v7;
	_ =	sdelay $0x1  }
0x117: {  	v7 =	vadd.f32 v9, v7;
	_ =	sdelay $0x1  }
0x118: {  	[tilespmem:v11+s13+$0x0] =	vst.idx.msk $0xffff, v7  }
0x119: {  	v7 =	vld [tilespmem:s4+$0xFFFFFFF0]  }
0x11a: {  	v8 =	vld [tilespmem:s11+$0xFFFFFFF0];
	_ =	sdelay $0x1  }
0x11b: {  	v9 =	vld [tilespmem:s23+$0xFFFFFFF0];
	_ =	sdelay $0x1  }
0x11c: {  	v11 =	vadd.s32 v2, v10  }
0x11d: {  	v7 =	vadd.f32 v8, v7;
	_ =	sdelay $0x1  }
0x11e: {  	v7 =	vadd.f32 v9, v7;
	_ =	sdelay $0x1  }
0x11f: {  	[tilespmem:v11+s13+$0x0] =	vst.idx.msk $0xffff, v7  }
0x120: {  	v7 =	vld [tilespmem:s4+$0x0]  }
0x121: {  	v8 =	vld [tilespmem:s11+$0x0];
	_ =	sdelay $0x1  }
0x122: {  	v9 =	vld [tilespmem:s23+$0x0];
	_ =	sdelay $0x1  }
0x123: {  	v11 =	vadd.s32 v3, v10  }
0x124: {  	v7 =	vadd.f32 v8, v7;
	_ =	sdelay $0x1  }
0x125: {  	v7 =	vadd.f32 v9, v7;
	_ =	sdelay $0x1  }
0x126: {  	[tilespmem:v11+s13+$0x0] =	vst.idx.msk $0xffff, v7  }
0x127: {  	v7 =	vld [tilespmem:s24+$0xFFFFFFF0]  }
0x128: {  	v8 =	vld [tilespmem:s25+$0xFFFFFFF0];
	_ =	sdelay $0x1  }
0x129: {  	v9 =	vadd.s32 v4, v10;
	_ =	sdelay $0x2  }
.Ltmp2:
0x12a: {  	v7 =	vadd.f32 v8, v7;
	(pc) =	sbr.rel @p0 .LBB2_8-.Ltmp2, $4  }
0x12b: {  	_ = 	snop  }
0x12c: {  	[tilespmem:v9+s13+$0x0] =	vst.idx.msk $0xffff, v7  }
0x12d: {  	v7 =	vld [tilespmem:s24+$0x0]  }
0x12e: {  	s4 =	sadd.s32 $0x40, s4;
	s11 =	sadd.s32 $0x40, s11;
	v8 =	vld [tilespmem:s25+$0x0]  }
0x12f: {  	_ =	sdelay $0x3  }
0x130: {  	s4 =	sadd.s32 s17, s22;
	v7 =	vadd.f32 v8, v7  }
0x131: {  	p0 =	seq.s32 s4, $0x1  }
0x132: {  	s4 =	simm.s32 @!p0 $0x4;
	[tilespmem:v6+s13+$0x0] =	vst.idx.msk $0xffff, v7  }
0x133: {  	s11 =	smul.u32 $0x30000, s22;
	_ =	swait.ge @!p0 [sflag:s4], $0x3000  }
0x134: {  	[sflag:s4] =	ssyncset.done @!p0 $0x0  }
0x135: {  	s22 =	simm.s32 $0x16B00;
	s11 =	sadd.s32 s11, s20;
	[sflag:s4] =	ssyncadd.s32 @!p0 $0xFFFFD000  }
0x136: {  	[hbm4b:s11+s3] =	stream.linear.scatter [tilespmem:s22], [sflag:$0x4], $0x80, $0x38;
	[tilespmem:$0x19E00] =	vst v63  }
0x137: {  	s23 =	simm.s32 $0x16B88;
	s18 =	sadd.s32 $0x10, s11  }
0x138: {  	[hbm4b:s18+s3] =	stream.linear.scatter [tilespmem:s23], [sflag:$0x4], $0x80, $0x38;
	[tilespmem:$0x19E00] =	vst v63  }
0x139: {  	s24 =	simm.s32 $0x16C10;
	s26 =	simm.s32 $0x16C98;
	s25 =	sadd.s32 $0x20, s11  }
0x13a: {  	[hbm4b:s25+s3] =	stream.linear.scatter [tilespmem:s24], [sflag:$0x4], $0x80, $0x38;
	[tilespmem:$0x19E00] =	vst v63  }
0x13b: {  	s28 =	sadd.s32 $0x30, s11;
	s4 =	simm.s32 $0x440;
	s22 =	simm.s32 $0x16D20  }
0x13c: {  	[hbm4b:s28+s3] =	stream.linear.scatter [tilespmem:s26], [sflag:$0x4], $0x80, $0x38;
	[tilespmem:$0x19E00] =	vst v63  }
0x13d: {  	s23 =	sadd.s32 $0x40, s11;
	s24 =	simm.s32 $0x16DA8;
	s25 =	sadd.s32 $0x50, s11  }
0x13e: {  	[hbm4b:s23+s3] =	stream.linear.scatter [tilespmem:s22], [sflag:$0x4], $0x80, $0x38;
	[tilespmem:$0x19E00] =	vst v63  }
0x13f: {  	s26 =	simm.s32 $0x16E30;
	s28 =	sadd.s32 $0x60, s11;
	s22 =	simm.s32 $0x2200  }
0x140: {  	[hbm4b:s25+s3] =	stream.linear.scatter [tilespmem:s24], [sflag:$0x4], $0x80, $0x38;
	[tilespmem:$0x19E00] =	vst v63  }
0x141: {  	s23 =	simm.s32 $0x16EB8;
	s24 =	sadd.s32 $0x70, s11;
	s11 =	sadd.s32 $0x4000, s11  }
0x142: {  	[hbm4b:s28+s3] =	stream.linear.scatter [tilespmem:s26], [sflag:$0x4], $0x80, $0x38;
	[tilespmem:$0x19E00] =	vst v63  }
.LBB2_10:
0x143: {  	[hbm4b:s24+s3] =	stream.linear.scatter [tilespmem:s23], [sflag:$0x4], $0x80, $0x38;
	[tilespmem:$0x19E00] =	vst v63  }
0x144: {  	s18 =	smov.u32 s4;
	s4 =	smov.u32 s22  }
0x145: {  	s25 =	sadd.s32 $0x1100, s22;
	s4 =	sshra.s32 s4, $0x2;
	s23 =	sadd.s32 $0x16B00, s18  }
0x146: {  	[hbm4b:s11+s3] =	stream.linear.scatter [tilespmem:s23], [sflag:$0x4], $0x80, $0x38;
	[tilespmem:$0x19E00] =	vst v63  }
0x147: {  	p0 =	sne.s32 s22, $0xBB00;
	s22 =	sadd.s32 $0x16B88, s18;
	s23 =	sadd.s32 $0x10, s11  }
0x148: {  	[hbm4b:s23+s3] =	stream.linear.scatter [tilespmem:s22], [sflag:$0x4], $0x80, $0x38;
	[tilespmem:$0x19E00] =	vst v63  }
0x149: {  	s22 =	sadd.s32 $0x16C10, s18;
	s23 =	sadd.s32 $0x20, s11  }
0x14a: {  	[hbm4b:s23+s3] =	stream.linear.scatter [tilespmem:s22], [sflag:$0x4], $0x80, $0x38;
	[tilespmem:$0x19E00] =	vst v63  }
0x14b: {  	s22 =	sadd.s32 $0x16C98, s18;
	s23 =	sadd.s32 $0x30, s11  }
0x14c: {  	[hbm4b:s23+s3] =	stream.linear.scatter [tilespmem:s22], [sflag:$0x4], $0x80, $0x38;
	[tilespmem:$0x19E00] =	vst v63  }
0x14d: {  	s22 =	sadd.s32 $0x16D20, s18;
	s23 =	sadd.s32 $0x40, s11  }
0x14e: {  	[hbm4b:s23+s3] =	stream.linear.scatter [tilespmem:s22], [sflag:$0x4], $0x80, $0x38;
	[tilespmem:$0x19E00] =	vst v63  }
.Ltmp3:
0x14f: {  	s22 =	sadd.s32 $0x16DA8, s18;
	s23 =	sadd.s32 $0x50, s11;
	(pc) =	sbr.rel @p0 .LBB2_10-.Ltmp3, $4  }
0x150: {  	[hbm4b:s23+s3] =	stream.linear.scatter [tilespmem:s22], [sflag:$0x4], $0x80, $0x38;
	[tilespmem:$0x19E00] =	vst v63  }
0x151: {  	s24 =	sadd.s32 $0x70, s11;
	s22 =	sadd.s32 $0x16E30, s18;
	s23 =	sadd.s32 $0x60, s11  }
0x152: {  	[hbm4b:s23+s3] =	stream.linear.scatter [tilespmem:s22], [sflag:$0x4], $0x80, $0x38;
	[tilespmem:$0x19E00] =	vst v63  }
0x153: {  	s11 =	sadd.s32 $0x4000, s11;
	s23 =	sadd.s32 $0x16EB8, s18;
	s22 =	smov.u32 s25  }
0x154: {  	[hbm4b:s24+s3] =	stream.linear.scatter [tilespmem:s23], [sflag:$0x4], $0x80, $0x38;
	[tilespmem:$0x19E00] =	vst v63  }
0x155: {  	s18 =	sadd.s32 $0x16B00, s4  }
0x156: {  	[hbm4b:s11+s3] =	stream.linear.scatter [tilespmem:s18], [sflag:$0x4], $0x80, $0x38;
	[tilespmem:$0x19E00] =	vst v63  }
0x157: {  	s28 =	sadd.s32 $0x16B88, s4;
	s22 =	sadd.s32 $0x10, s11  }
0x158: {  	[hbm4b:s22+s3] =	stream.linear.scatter [tilespmem:s28], [sflag:$0x4], $0x80, $0x38;
	[tilespmem:$0x19E00] =	vst v63  }
0x159: {  	s23 =	sadd.s32 $0x20, s11;
	s22 =	sadd.s32 $0x16C10, s4  }
0x15a: {  	[hbm4b:s23+s3] =	stream.linear.scatter [tilespmem:s22], [sflag:$0x4], $0x80, $0x38;
	[tilespmem:$0x19E00] =	vst v63  }
0x15b: {  	s24 =	sadd.s32 $0x16C98, s4;
	s25 =	sadd.s32 $0x30, s11  }
0x15c: {  	[hbm4b:s25+s3] =	stream.linear.scatter [tilespmem:s24], [sflag:$0x4], $0x80, $0x38;
	[tilespmem:$0x19E00] =	vst v63  }
0x15d: {  	s26 =	sadd.s32 $0x16D20, s4;
	s21 =	sadd.s32 $0x1, s21;
	s28 =	sadd.s32 $0x40, s11  }
0x15e: {  	[hbm4b:s28+s3] =	stream.linear.scatter [tilespmem:s26], [sflag:$0x4], $0x80, $0x38;
	[tilespmem:$0x19E00] =	vst v63  }
0x15f: {  	p0 =	sne.s32 s21, $0xA;
	s22 =	sadd.s32 $0x16DA8, s4;
	s23 =	sadd.s32 $0x50, s11  }
0x160: {  	[hbm4b:s23+s3] =	stream.linear.scatter [tilespmem:s22], [sflag:$0x4], $0x80, $0x38;
	[tilespmem:$0x19E00] =	vst v63  }
.Ltmp4:
0x161: {  	_ = 	snop;
	(pc) =	sbr.rel @p0 .LBB2_3-.Ltmp4, $4  }
0x162: {  	s24 =	sadd.s32 $0x16E30, s4;
	s25 =	sadd.s32 $0x60, s11  }
0x163: {  	[hbm4b:s25+s3] =	stream.linear.scatter [tilespmem:s24], [sflag:$0x4], $0x80, $0x38;
	[tilespmem:$0x19E00] =	vst v63  }
0x164: {  	s26 =	sadd.s32 $0x16EB8, s4;
	s28 =	sadd.s32 $0x70, s11  }
0x165: {  	[hbm4b:s28+s3] =	stream.linear.scatter [tilespmem:s26], [sflag:$0x4], $0x80, $0x38;
	[tilespmem:$0x19E00] =	vst v63  }
0x166: {  	s14 =	sadd.s32 $0x1, s14  }
0x167: {  	p0 =	sne.s32 s14, $0x4  }
.Ltmp5:
0x168: {  	_ = 	snop;
	(pc) =	sbr.rel @p0 .LBB2_2-.Ltmp5, $1  }
0x169: {  	_ =	sdelay $0x3  }
0x16a: {  	s4 =	simm.s32 $0x3  }
0x16b: {  	_ =	swait.ge [sflag:s4], $0x3000  }
0x16c: {  	[sflag:s4] =	ssyncset.done $0x0  }
0x16d: {  	s11 =	simm.s32 $0x4;
	[sflag:s4] =	ssyncadd.s32 $0xFFFFD000  }
0x16e: {  	_ =	swait.ge [sflag:s11], $0x3000  }
0x16f: {  	s14 =	rddreg [dreg:$0x7]  }
0x170: {  	s28 =	rddreg [dreg:$0x6];
	s14 =	sadd.s32 $0x1, s14  }
0x171: {  	p0 =	sne.s32 s14, s28  }
.Ltmp6:
0x172: {  	_ = 	snop;
	(pc) =	sbr.rel @p0 .LBB2_1-.Ltmp6, $3  }
0x173: {  	_ =	sdelay $0x1  }
0x174: {  	[sflag:s11] =	ssyncset.done $0x0  }
0x175: {  	[sflag:s11] =	ssyncadd.s32 $0xFFFFD000  }
0x176: {  	_ =	sfence.sel $0x180000  }
0x177: {  	[bflag:$0x0] =	sbarrier.arrive $0xFFFF  }
0x178: {  	_ =	strace $0x90000047  }
0x179: {  	s0 =	stileid.u32;
	[bflag:$0x2] =	sbarrier.arrive $0xFFFF  }
0x17a: {  	p0 =	sne.s32 s0, $0x0;
	s0 =	rddreg [dreg:$0x3]  }
0x17b: {  	s0 =	sadd.s32 @!p0 $0x100000, s0  }
0x17c: {  	[sflag:s0] =	ssyncadd.tile.s32 @!p0 $0x1;
	_ =	shalt  }
.Lfunc_end2:
_tile_overlayer_lowered:
.L_overlay_start_2:
0x17d: {  	(tag) =	ssettag $0x2  }
0x17e: {  	s0 =	rddreg [dreg:$0x0];
	s2 =	stileid.u32  }
0x17f: {  	s1 =	rddreg [dreg:$0x1];
	p0 =	sne.s32 s2, $0x0  }
0x180: {  	s3 =	rddreg [dreg:$0x2];
	[bflag:$0x3] =	sbarrier.arrive $0xFFFF;
	s2 =	simm.s32 @!p0 $0x1C05  }
0x181: {  	[timem:s3], [sflag:s2] =	dma.local @!p0 [hbm:s0], s1  }
0x182: {  	s0 =	simm.s32 @!p0 $0x5  }
0x183: {  	_ =	swait.ge @!p0 [sflag:s0], s1  }
0x184: {  	s1 =	ssub.s32 @!p0 $0x0, s1;
	[sflag:s0] =	ssyncset.done @!p0 $0x0  }
0x185: {  	[sflag:s0] =	ssyncadd.s32 @!p0 s1  }
0x186: {  	[bflag:$0x3] =	sbarrier.arrive $0xFFFF  }
0x187: {  	_ =	shalt  }

</sc_bundles>
